<compile_context>
chip_gen: v7x
topology: tpu7x:2x2x1
jax: 0.10.2.dev20260603
libtpu: 0.0.44.dev20260713+nightly
codegen_flags: <defaults>
</compile_context>

<pallas_src>
import jax
import jax.numpy as jnp
from jax import lax
from jax.experimental import pallas as pl
from jax.experimental.pallas import tpu as pltpu
from jax.experimental.pallas import tpu_sc as plsc

D = 4096
BATCH = 4
SEQ = 2048
B = BATCH * SEQ
NC = 2
NS = 16
NW = NC * NS
ROWS_PER_W = B // NW
K = 8
CHUNKS = ROWS_PER_W // K
UNROLL = 8
MASK = -65536


def _emb_body(ids_hbm, wte_hbm, out_hbm, ids_v, idx_u, rows_a, rows_b,
              sem_a, sem_b):
    wid = lax.axis_index("s") * NC + lax.axis_index("c")
    base = wid * ROWS_PER_W
    pltpu.sync_copy(ids_hbm.at[pl.ds(base, ROWS_PER_W)], ids_v)
    wte32 = wte_hbm.bitcast(jnp.int32)
    out32 = out_hbm.bitcast(jnp.int32)

    def mk_idx(i, carry):
        idx_u[pl.ds(i * 16, 16)] = ids_v[pl.ds(i * 16, 16)] >> 1
        return carry

    lax.fori_loop(0, ROWS_PER_W // 16, mk_idx, 0)

    def gather(c, buf, sem):
        return pltpu.async_copy(wte32.at[idx_u.at[pl.ds(c * K, K)]], buf, sem)

    def convert_and_store(c, rows_v, gvec, lane0):
        for r in range(K):
            v_r = gvec[lane0 + r]
            shift = 16 - ((v_r & 1) << 4)

            @plsc.parallel_loop(0, D // 16, 1, unroll=UNROLL)
            def _(j, r=r, shift=shift):
                sl = pl.ds(j * 16, 16)
                rows_v[r, sl] = (rows_v[r, sl] << shift) & jnp.int32(MASK)
        pltpu.sync_copy(rows_v, out32.at[pl.ds(base + c * K, K), :])

    gather(0, rows_a, sem_a)

    def body(t, carry):
        ca = 2 * t
        cb = 2 * t + 1
        gather(cb, rows_b, sem_b)
        gvec = ids_v[pl.ds(t * 16, 16)]
        pltpu.make_async_copy(
            wte32.at[idx_u.at[pl.ds(0, K)]], rows_a, sem_a).wait()
        convert_and_store(ca, rows_a, gvec, 0)

        @pl.when(t < CHUNKS // 2 - 1)
        def _():
            gather(ca + 2, rows_a, sem_a)

        pltpu.make_async_copy(
            wte32.at[idx_u.at[pl.ds(0, K)]], rows_b, sem_b).wait()
        convert_and_store(cb, rows_b, gvec, 8)
        return carry

    lax.fori_loop(0, CHUNKS // 2, body, 0)


@jax.jit
def _emb(ids_flat, wte):
    mesh = plsc.VectorSubcoreMesh(core_axis_name="c", subcore_axis_name="s")
    f = pl.kernel(
        _emb_body,
        mesh=mesh,
        compiler_params=pltpu.CompilerParams(needs_layout_passes=False),
        out_type=jax.ShapeDtypeStruct((B, D), jnp.float32),
        scratch_types=[
            pltpu.VMEM((ROWS_PER_W,), jnp.int32),
            pltpu.VMEM((ROWS_PER_W,), jnp.int32),
            pltpu.VMEM((K, D), jnp.int32),
            pltpu.VMEM((K, D), jnp.int32),
            pltpu.SemaphoreType.DMA,
            pltpu.SemaphoreType.DMA,
        ],
    )
    return f(ids_flat, wte)


def kernel(input_ids, wte):
    out = _emb(input_ids.reshape(-1), wte)
    return out.reshape(input_ids.shape[0], input_ids.shape[1], D)

# --- scband reference (transcript-rebuilt; emitter-appended) ---
"""Pipeline reference for scband-embedding-75015898792028 (READ-ONLY COPY).

The authoritative reference and input builder live on the scoring server;
editing this copy changes nothing except your own understanding.
"""

import jax, jax.numpy as jnp
import numpy as np

VOCAB = 151936
D_MODEL = 4096
BATCH = 4
SEQ = 2048


def setup_inputs(seed: int = 0) -> dict:
    key = jax.random.key(seed)
    k_ids, k_tab = jax.random.split(key)
    input_ids = jax.random.randint(k_ids, (BATCH, SEQ), 0, VOCAB, dtype=jnp.int32)
    # Qwen-7B wte weight is stored in bfloat16; forward casts output to float32.
    wte = jax.random.normal(k_tab, (VOCAB, D_MODEL), dtype=jnp.bfloat16) * jnp.bfloat16(0.02)
    return {"input_ids": input_ids, "wte": wte}


def reference(input_ids, wte):
    # Embedding lookup (gather) followed by cast to float32, matching
    # transformer.wte(input_ids).float() in the original torch module.
    out = jnp.take(wte, input_ids, axis=0)
    return out.astype(jnp.float32)

if __name__ == "__main__":
    import jax
    _d = setup_inputs()
    print(jax.jit(kernel)(*tuple(_d.values())))

</pallas_src>

<mosaic_0001>
#map = affine_map<(d0, d1) -> (0)>
#map1 = affine_map<(d0, d1) -> (0, 0)>
module attributes {stable_mosaic.version = 14 : i64} {
  func.func @_emb_body(%arg0: i32, %arg1: i32, %arg2: memref<8192xi32, #tpu.memory_space<hbm>>, %arg3: memref<151936x4096xbf16, #tpu.memory_space<hbm>>, %arg4: memref<8192x4096xf32, #tpu.memory_space<hbm>>, %arg5: memref<256xi32, #tpu.memory_space<vmem>>, %arg6: memref<256xi32, #tpu.memory_space<vmem>>, %arg7: memref<8x4096xi32, #tpu.memory_space<vmem>>, %arg8: memref<8x4096xi32, #tpu.memory_space<vmem>>, %arg9: memref<!tpu.dma_semaphore, #tpu.memory_space<semaphore_mem>>, %arg10: memref<!tpu.dma_semaphore, #tpu.memory_space<semaphore_mem>>) attributes {dimension_semantics = [#tpu.dimension_semantics<core_parallel>, #tpu.dimension_semantics<subcore_parallel>], iteration_bounds = array<i64: 2, 16>, scalar_prefetch = 0 : i64, scratch_operands = 6 : i64, tpu.core_type = #tpu.core_type<sc_vector_subcore>, window_params = [{transform_indices = #map}, {transform_indices = #map1}, {transform_indices = #map1}]} {
    %mul3A = arith.constant 2 : i32
    %mul3A_0 = arith.muli %arg1, %mul3A : i32
    %add3A = arith.addi %mul3A_0, %arg0 : i32
    %mul3A_1 = arith.constant 256 : i32
    %mul3A_2 = arith.muli %add3A, %mul3A_1 : i32
    "tpu.region"() ({
      %run_scoped3A = tpu.sem_alloc : memref<!tpu.dma_semaphore, #tpu.memory_space<semaphore_mem>>
      %dma_start3A_19 = tpu.memref_slice %arg2[%mul3A_2] : memref<8192xi32, #tpu.memory_space<hbm>> -> memref<256xi32, #tpu.memory_space<hbm>>
      %dma_start3A_20 = tpu.memref_slice %arg2[%mul3A_2] : memref<8192xi32, #tpu.memory_space<hbm>> -> memref<256xi32, #tpu.memory_space<hbm>>
      tpu.enqueue_dma source(%dma_start3A_20 : memref<256xi32, #tpu.memory_space<hbm>>) target(%arg5 : memref<256xi32, #tpu.memory_space<vmem>>) target_semaphore(%run_scoped3A : memref<!tpu.dma_semaphore, #tpu.memory_space<semaphore_mem>>)
      %dma_wait3A = tpu.memref_slice %arg2[%mul3A_2] : memref<8192xi32, #tpu.memory_space<hbm>> -> memref<256xi32, #tpu.memory_space<hbm>>
      %dma_wait3A_21 = tpu.memref_slice %arg2[%mul3A_2] : memref<8192xi32, #tpu.memory_space<hbm>> -> memref<256xi32, #tpu.memory_space<hbm>>
      tpu.wait_dma2 semaphore(%run_scoped3A : memref<!tpu.dma_semaphore, #tpu.memory_space<semaphore_mem>>) src(%dma_wait3A_21 : memref<256xi32, #tpu.memory_space<hbm>>) dst(%arg5 : memref<256xi32, #tpu.memory_space<vmem>>)
      tpu.yield
    }) : () -> ()
    %scan3A = arith.constant 0 : i32
    %scan3A_3 = arith.constant 0 : i32
    %scan3A_4 = arith.constant 16 : i32
    %scan3A_5 = arith.addi %scan3A_3, %scan3A_4 : i32
    %scan3A_6 = arith.constant 1 : i32
    scf.for %scan3A_19 = %scan3A_3 to %scan3A_5 step %scan3A_6  : i32 {
      %mul3A_20 = arith.constant 16 : i32
      %mul3A_21 = arith.muli %scan3A_19, %mul3A_20 : i32
      %get3A = arith.index_cast %mul3A_21 : i32 to index
      %get3A_22 = tpu.vector_load %arg5[%get3A] {strides = array<i32>} : memref<256xi32, #tpu.memory_space<vmem>>, vector<16xi32>,
      %shift_right_arithmetic3A = arith.constant 1 : i32
      %shift_right_arithmetic3A_23 = vector.broadcast %shift_right_arithmetic3A : i32 to vector<16xi32>
      %shift_right_arithmetic3A_24 = arith.shrsi %get3A_22, %shift_right_arithmetic3A_23 : vector<16xi32>
      %mul3A_25 = arith.constant 16 : i32
      %mul3A_26 = arith.muli %scan3A_19, %mul3A_25 : i32
      %swap3A = arith.index_cast %mul3A_26 : i32 to index
      %swap3A_27 = tpu.vector_load %arg6[%swap3A] {strides = array<i32>} : memref<256xi32, #tpu.memory_space<vmem>>, vector<16xi32>,
      tpu.vector_store %arg6[%swap3A], %shift_right_arithmetic3A_24 {strides = array<i32>} : memref<256xi32, #tpu.memory_space<vmem>>, vector<16xi32>,
    }
    %scan3A_7 = arith.constant 16 : i32
    %dma_start3A = arith.constant 0 : i32
    %dma_start3A_8 = tpu.memref_slice %arg6[%dma_start3A] : memref<256xi32, #tpu.memory_space<vmem>> -> memref<8xi32, #tpu.memory_space<vmem>>
    %dma_start3A_9 = tpu.memref_bitcast %arg3 : memref<151936x4096xbf16, #tpu.memory_space<hbm>> -> memref<75968x4096xi32, #tpu.memory_space<hbm>>
    %dma_start3A_10 = arith.constant 0 : i32
    %dma_start3A_11 = arith.constant 0 : i32
    %dma_start3A_12 = tpu.memref_slice %dma_start3A_9[%dma_start3A_10, %dma_start3A_11] : memref<75968x4096xi32, #tpu.memory_space<hbm>> -> memref<75968x4096xi32, #tpu.memory_space<hbm>>
    tpu.enqueue_indirect_dma source(%dma_start3A_12 : memref<75968x4096xi32, #tpu.memory_space<hbm>>) target(%arg7 : memref<8x4096xi32, #tpu.memory_space<vmem>>) offsets(%dma_start3A_8 : memref<8xi32, #tpu.memory_space<vmem>>) semaphore(%arg9 : memref<!tpu.dma_semaphore, #tpu.memory_space<semaphore_mem>>)
    %scan3A_13 = arith.constant 0 : i32
    %scan3A_14 = arith.constant 0 : i32
    %scan3A_15 = arith.constant 16 : i32
    %scan3A_16 = arith.addi %scan3A_14, %scan3A_15 : i32
    %scan3A_17 = arith.constant 1 : i32
    scf.for %scan3A_19 = %scan3A_14 to %scan3A_16 step %scan3A_17  : i32 {
      %mul3A_20 = arith.constant 2 : i32
      %mul3A_21 = arith.muli %mul3A_20, %scan3A_19 : i32
      %mul3A_22 = arith.constant 2 : i32
      %mul3A_23 = arith.muli %mul3A_22, %scan3A_19 : i32
      %add3A_24 = arith.constant 1 : i32
      %add3A_25 = arith.addi %mul3A_23, %add3A_24 : i32
      %mul3A_26 = arith.constant 8 : i32
      %mul3A_27 = arith.muli %add3A_25, %mul3A_26 : i32
      %dma_start3A_28 = tpu.memref_slice %arg6[%mul3A_27] : memref<256xi32, #tpu.memory_space<vmem>> -> memref<8xi32, #tpu.memory_space<vmem>>
      %dma_start3A_29 = tpu.memref_bitcast %arg3 : memref<151936x4096xbf16, #tpu.memory_space<hbm>> -> memref<75968x4096xi32, #tpu.memory_space<hbm>>
      %dma_start3A_30 = arith.constant 0 : i32
      %dma_start3A_31 = arith.constant 0 : i32
      %dma_start3A_32 = tpu.memref_slice %dma_start3A_29[%dma_start3A_30, %dma_start3A_31] : memref<75968x4096xi32, #tpu.memory_space<hbm>> -> memref<75968x4096xi32, #tpu.memory_space<hbm>>
      tpu.enqueue_indirect_dma source(%dma_start3A_32 : memref<75968x4096xi32, #tpu.memory_space<hbm>>) target(%arg8 : memref<8x4096xi32, #tpu.memory_space<vmem>>) offsets(%dma_start3A_28 : memref<8xi32, #tpu.memory_space<vmem>>) semaphore(%arg10 : memref<!tpu.dma_semaphore, #tpu.memory_space<semaphore_mem>>)
      %mul3A_33 = arith.constant 16 : i32
      %mul3A_34 = arith.muli %scan3A_19, %mul3A_33 : i32
      %get3A = arith.index_cast %mul3A_34 : i32 to index
      %get3A_35 = tpu.vector_load %arg5[%get3A] {strides = array<i32>} : memref<256xi32, #tpu.memory_space<vmem>>, vector<16xi32>,
      %dma_wait3A = arith.constant 0 : i32
      %dma_wait3A_36 = tpu.memref_slice %arg6[%dma_wait3A] : memref<256xi32, #tpu.memory_space<vmem>> -> memref<8xi32, #tpu.memory_space<vmem>>
      %dma_wait3A_37 = tpu.memref_bitcast %arg3 : memref<151936x4096xbf16, #tpu.memory_space<hbm>> -> memref<75968x4096xi32, #tpu.memory_space<hbm>>
      %dma_wait3A_38 = arith.constant 0 : i32
      %dma_wait3A_39 = arith.constant 0 : i32
      %dma_wait3A_40 = tpu.memref_slice %dma_wait3A_37[%dma_wait3A_38, %dma_wait3A_39] : memref<75968x4096xi32, #tpu.memory_space<hbm>> -> memref<75968x4096xi32, #tpu.memory_space<hbm>>
      tpu.wait_indirect_dma semaphore(%arg9 : memref<!tpu.dma_semaphore, #tpu.memory_space<semaphore_mem>>) src(%dma_wait3A_40 : memref<75968x4096xi32, #tpu.memory_space<hbm>>) dst(%arg7 : memref<8x4096xi32, #tpu.memory_space<vmem>>)
      %slice3A = vector.extract_strided_slice %get3A_35 {offsets = [0], sizes = [1], strides = [1]} : vector<16xi32> to vector<1xi32>
      %squeeze3A = vector.extract %slice3A[0] : i32 from vector<1xi32>
      %and3A = arith.constant 1 : i32
      %and3A_41 = arith.andi %squeeze3A, %and3A : i32
      %shift_left3A = arith.constant 4 : i32
      %shift_left3A_42 = arith.shli %and3A_41, %shift_left3A : i32
      %sub3A = arith.constant 16 : i32
      %sub3A_43 = arith.subi %sub3A, %shift_left3A_42 : i32
      %parallel_loop3A = arith.constant 0 : i32
      %parallel_loop3A_44 = arith.constant 256 : i32
      %parallel_loop3A_45 = arith.constant 1 : i32
      scf.for %parallel_loop3A_225 = %parallel_loop3A to %parallel_loop3A_44 step %parallel_loop3A_45  : i32 {
        %parallel_loop3A_226 = arith.constant 16 : i32
        %parallel_loop3A_227 = arith.muli %parallel_loop3A_225, %parallel_loop3A_226 : i32
        %parallel_loop3A_228 = arith.constant 0 : i32
        %parallel_loop3A_229 = arith.index_cast %parallel_loop3A_228 : i32 to index
        %parallel_loop3A_230 = arith.index_cast %parallel_loop3A_227 : i32 to index
        %parallel_loop3A_231 = tpu.vector_load %arg7[%parallel_loop3A_229, %parallel_loop3A_230] {strides = array<i32>} : memref<8x4096xi32, #tpu.memory_space<vmem>>, vector<16xi32>,
        %parallel_loop3A_232 = vector.broadcast %sub3A_43 : i32 to vector<16xi32>
        %parallel_loop3A_233 = arith.shli %parallel_loop3A_231, %parallel_loop3A_232 : vector<16xi32>
        %parallel_loop3A_234 = arith.constant -65536 : i32
        %parallel_loop3A_235 = vector.broadcast %parallel_loop3A_234 : i32 to vector<16xi32>
        %parallel_loop3A_236 = arith.andi %parallel_loop3A_233, %parallel_loop3A_235 : vector<16xi32>
        %parallel_loop3A_237 = arith.constant 0 : i32
        %parallel_loop3A_238 = arith.index_cast %parallel_loop3A_237 : i32 to index
        %parallel_loop3A_239 = arith.index_cast %parallel_loop3A_227 : i32 to index
        %parallel_loop3A_240 = tpu.vector_load %arg7[%parallel_loop3A_238, %parallel_loop3A_239] {strides = array<i32>} : memref<8x4096xi32, #tpu.memory_space<vmem>>, vector<16xi32>,
        tpu.vector_store %arg7[%parallel_loop3A_238, %parallel_loop3A_239], %parallel_loop3A_236 {strides = array<i32>} : memref<8x4096xi32, #tpu.memory_space<vmem>>, vector<16xi32>,
      } {sc.loop_unroll_factor = 8 : i64, sc.parallel_access}
      %slice3A_46 = vector.extract_strided_slice %get3A_35 {offsets = [1], sizes = [1], strides = [1]} : vector<16xi32> to vector<1xi32>
      %squeeze3A_47 = vector.extract %slice3A_46[0] : i32 from vector<1xi32>
      %and3A_48 = arith.constant 1 : i32
      %and3A_49 = arith.andi %squeeze3A_47, %and3A_48 : i32
      %shift_left3A_50 = arith.constant 4 : i32
      %shift_left3A_51 = arith.shli %and3A_49, %shift_left3A_50 : i32
      %sub3A_52 = arith.constant 16 : i32
      %sub3A_53 = arith.subi %sub3A_52, %shift_left3A_51 : i32
      %parallel_loop3A_54 = arith.constant 0 : i32
      %parallel_loop3A_55 = arith.constant 256 : i32
      %parallel_loop3A_56 = arith.constant 1 : i32
      scf.for %parallel_loop3A_225 = %parallel_loop3A_54 to %parallel_loop3A_55 step %parallel_loop3A_56  : i32 {
        %parallel_loop3A_226 = arith.constant 16 : i32
        %parallel_loop3A_227 = arith.muli %parallel_loop3A_225, %parallel_loop3A_226 : i32
        %parallel_loop3A_228 = arith.constant 1 : i32
        %parallel_loop3A_229 = arith.index_cast %parallel_loop3A_228 : i32 to index
        %parallel_loop3A_230 = arith.index_cast %parallel_loop3A_227 : i32 to index
        %parallel_loop3A_231 = tpu.vector_load %arg7[%parallel_loop3A_229, %parallel_loop3A_230] {strides = array<i32>} : memref<8x4096xi32, #tpu.memory_space<vmem>>, vector<16xi32>,
        %parallel_loop3A_232 = vector.broadcast %sub3A_53 : i32 to vector<16xi32>
        %parallel_loop3A_233 = arith.shli %parallel_loop3A_231, %parallel_loop3A_232 : vector<16xi32>
        %parallel_loop3A_234 = arith.constant -65536 : i32
        %parallel_loop3A_235 = vector.broadcast %parallel_loop3A_234 : i32 to vector<16xi32>
        %parallel_loop3A_236 = arith.andi %parallel_loop3A_233, %parallel_loop3A_235 : vector<16xi32>
        %parallel_loop3A_237 = arith.constant 1 : i32
        %parallel_loop3A_238 = arith.index_cast %parallel_loop3A_237 : i32 to index
        %parallel_loop3A_239 = arith.index_cast %parallel_loop3A_227 : i32 to index
        %parallel_loop3A_240 = tpu.vector_load %arg7[%parallel_loop3A_238, %parallel_loop3A_239] {strides = array<i32>} : memref<8x4096xi32, #tpu.memory_space<vmem>>, vector<16xi32>,
        tpu.vector_store %arg7[%parallel_loop3A_238, %parallel_loop3A_239], %parallel_loop3A_236 {strides = array<i32>} : memref<8x4096xi32, #tpu.memory_space<vmem>>, vector<16xi32>,
      } {sc.loop_unroll_factor = 8 : i64, sc.parallel_access}
      %slice3A_57 = vector.extract_strided_slice %get3A_35 {offsets = [2], sizes = [1], strides = [1]} : vector<16xi32> to vector<1xi32>
      %squeeze3A_58 = vector.extract %slice3A_57[0] : i32 from vector<1xi32>
      %and3A_59 = arith.constant 1 : i32
      %and3A_60 = arith.andi %squeeze3A_58, %and3A_59 : i32
      %shift_left3A_61 = arith.constant 4 : i32
      %shift_left3A_62 = arith.shli %and3A_60, %shift_left3A_61 : i32
      %sub3A_63 = arith.constant 16 : i32
      %sub3A_64 = arith.subi %sub3A_63, %shift_left3A_62 : i32
      %parallel_loop3A_65 = arith.constant 0 : i32
      %parallel_loop3A_66 = arith.constant 256 : i32
      %parallel_loop3A_67 = arith.constant 1 : i32
      scf.for %parallel_loop3A_225 = %parallel_loop3A_65 to %parallel_loop3A_66 step %parallel_loop3A_67  : i32 {
        %parallel_loop3A_226 = arith.constant 16 : i32
        %parallel_loop3A_227 = arith.muli %parallel_loop3A_225, %parallel_loop3A_226 : i32
        %parallel_loop3A_228 = arith.constant 2 : i32
        %parallel_loop3A_229 = arith.index_cast %parallel_loop3A_228 : i32 to index
        %parallel_loop3A_230 = arith.index_cast %parallel_loop3A_227 : i32 to index
        %parallel_loop3A_231 = tpu.vector_load %arg7[%parallel_loop3A_229, %parallel_loop3A_230] {strides = array<i32>} : memref<8x4096xi32, #tpu.memory_space<vmem>>, vector<16xi32>,
        %parallel_loop3A_232 = vector.broadcast %sub3A_64 : i32 to vector<16xi32>
        %parallel_loop3A_233 = arith.shli %parallel_loop3A_231, %parallel_loop3A_232 : vector<16xi32>
        %parallel_loop3A_234 = arith.constant -65536 : i32
        %parallel_loop3A_235 = vector.broadcast %parallel_loop3A_234 : i32 to vector<16xi32>
        %parallel_loop3A_236 = arith.andi %parallel_loop3A_233, %parallel_loop3A_235 : vector<16xi32>
        %parallel_loop3A_237 = arith.constant 2 : i32
        %parallel_loop3A_238 = arith.index_cast %parallel_loop3A_237 : i32 to index
        %parallel_loop3A_239 = arith.index_cast %parallel_loop3A_227 : i32 to index
        %parallel_loop3A_240 = tpu.vector_load %arg7[%parallel_loop3A_238, %parallel_loop3A_239] {strides = array<i32>} : memref<8x4096xi32, #tpu.memory_space<vmem>>, vector<16xi32>,
        tpu.vector_store %arg7[%parallel_loop3A_238, %parallel_loop3A_239], %parallel_loop3A_236 {strides = array<i32>} : memref<8x4096xi32, #tpu.memory_space<vmem>>, vector<16xi32>,
      } {sc.loop_unroll_factor = 8 : i64, sc.parallel_access}
      %slice3A_68 = vector.extract_strided_slice %get3A_35 {offsets = [3], sizes = [1], strides = [1]} : vector<16xi32> to vector<1xi32>
      %squeeze3A_69 = vector.extract %slice3A_68[0] : i32 from vector<1xi32>
      %and3A_70 = arith.constant 1 : i32
      %and3A_71 = arith.andi %squeeze3A_69, %and3A_70 : i32
      %shift_left3A_72 = arith.constant 4 : i32
      %shift_left3A_73 = arith.shli %and3A_71, %shift_left3A_72 : i32
      %sub3A_74 = arith.constant 16 : i32
      %sub3A_75 = arith.subi %sub3A_74, %shift_left3A_73 : i32
      %parallel_loop3A_76 = arith.constant 0 : i32
      %parallel_loop3A_77 = arith.constant 256 : i32
      %parallel_loop3A_78 = arith.constant 1 : i32
      scf.for %parallel_loop3A_225 = %parallel_loop3A_76 to %parallel_loop3A_77 step %parallel_loop3A_78  : i32 {
        %parallel_loop3A_226 = arith.constant 16 : i32
        %parallel_loop3A_227 = arith.muli %parallel_loop3A_225, %parallel_loop3A_226 : i32
        %parallel_loop3A_228 = arith.constant 3 : i32
        %parallel_loop3A_229 = arith.index_cast %parallel_loop3A_228 : i32 to index
        %parallel_loop3A_230 = arith.index_cast %parallel_loop3A_227 : i32 to index
        %parallel_loop3A_231 = tpu.vector_load %arg7[%parallel_loop3A_229, %parallel_loop3A_230] {strides = array<i32>} : memref<8x4096xi32, #tpu.memory_space<vmem>>, vector<16xi32>,
        %parallel_loop3A_232 = vector.broadcast %sub3A_75 : i32 to vector<16xi32>
        %parallel_loop3A_233 = arith.shli %parallel_loop3A_231, %parallel_loop3A_232 : vector<16xi32>
        %parallel_loop3A_234 = arith.constant -65536 : i32
        %parallel_loop3A_235 = vector.broadcast %parallel_loop3A_234 : i32 to vector<16xi32>
        %parallel_loop3A_236 = arith.andi %parallel_loop3A_233, %parallel_loop3A_235 : vector<16xi32>
        %parallel_loop3A_237 = arith.constant 3 : i32
        %parallel_loop3A_238 = arith.index_cast %parallel_loop3A_237 : i32 to index
        %parallel_loop3A_239 = arith.index_cast %parallel_loop3A_227 : i32 to index
        %parallel_loop3A_240 = tpu.vector_load %arg7[%parallel_loop3A_238, %parallel_loop3A_239] {strides = array<i32>} : memref<8x4096xi32, #tpu.memory_space<vmem>>, vector<16xi32>,
        tpu.vector_store %arg7[%parallel_loop3A_238, %parallel_loop3A_239], %parallel_loop3A_236 {strides = array<i32>} : memref<8x4096xi32, #tpu.memory_space<vmem>>, vector<16xi32>,
      } {sc.loop_unroll_factor = 8 : i64, sc.parallel_access}
      %slice3A_79 = vector.extract_strided_slice %get3A_35 {offsets = [4], sizes = [1], strides = [1]} : vector<16xi32> to vector<1xi32>
      %squeeze3A_80 = vector.extract %slice3A_79[0] : i32 from vector<1xi32>
      %and3A_81 = arith.constant 1 : i32
      %and3A_82 = arith.andi %squeeze3A_80, %and3A_81 : i32
      %shift_left3A_83 = arith.constant 4 : i32
      %shift_left3A_84 = arith.shli %and3A_82, %shift_left3A_83 : i32
      %sub3A_85 = arith.constant 16 : i32
      %sub3A_86 = arith.subi %sub3A_85, %shift_left3A_84 : i32
      %parallel_loop3A_87 = arith.constant 0 : i32
      %parallel_loop3A_88 = arith.constant 256 : i32
      %parallel_loop3A_89 = arith.constant 1 : i32
      scf.for %parallel_loop3A_225 = %parallel_loop3A_87 to %parallel_loop3A_88 step %parallel_loop3A_89  : i32 {
        %parallel_loop3A_226 = arith.constant 16 : i32
        %parallel_loop3A_227 = arith.muli %parallel_loop3A_225, %parallel_loop3A_226 : i32
        %parallel_loop3A_228 = arith.constant 4 : i32
        %parallel_loop3A_229 = arith.index_cast %parallel_loop3A_228 : i32 to index
        %parallel_loop3A_230 = arith.index_cast %parallel_loop3A_227 : i32 to index
        %parallel_loop3A_231 = tpu.vector_load %arg7[%parallel_loop3A_229, %parallel_loop3A_230] {strides = array<i32>} : memref<8x4096xi32, #tpu.memory_space<vmem>>, vector<16xi32>,
        %parallel_loop3A_232 = vector.broadcast %sub3A_86 : i32 to vector<16xi32>
        %parallel_loop3A_233 = arith.shli %parallel_loop3A_231, %parallel_loop3A_232 : vector<16xi32>
        %parallel_loop3A_234 = arith.constant -65536 : i32
        %parallel_loop3A_235 = vector.broadcast %parallel_loop3A_234 : i32 to vector<16xi32>
        %parallel_loop3A_236 = arith.andi %parallel_loop3A_233, %parallel_loop3A_235 : vector<16xi32>
        %parallel_loop3A_237 = arith.constant 4 : i32
        %parallel_loop3A_238 = arith.index_cast %parallel_loop3A_237 : i32 to index
        %parallel_loop3A_239 = arith.index_cast %parallel_loop3A_227 : i32 to index
        %parallel_loop3A_240 = tpu.vector_load %arg7[%parallel_loop3A_238, %parallel_loop3A_239] {strides = array<i32>} : memref<8x4096xi32, #tpu.memory_space<vmem>>, vector<16xi32>,
        tpu.vector_store %arg7[%parallel_loop3A_238, %parallel_loop3A_239], %parallel_loop3A_236 {strides = array<i32>} : memref<8x4096xi32, #tpu.memory_space<vmem>>, vector<16xi32>,
      } {sc.loop_unroll_factor = 8 : i64, sc.parallel_access}
      %slice3A_90 = vector.extract_strided_slice %get3A_35 {offsets = [5], sizes = [1], strides = [1]} : vector<16xi32> to vector<1xi32>
      %squeeze3A_91 = vector.extract %slice3A_90[0] : i32 from vector<1xi32>
      %and3A_92 = arith.constant 1 : i32
      %and3A_93 = arith.andi %squeeze3A_91, %and3A_92 : i32
      %shift_left3A_94 = arith.constant 4 : i32
      %shift_left3A_95 = arith.shli %and3A_93, %shift_left3A_94 : i32
      %sub3A_96 = arith.constant 16 : i32
      %sub3A_97 = arith.subi %sub3A_96, %shift_left3A_95 : i32
      %parallel_loop3A_98 = arith.constant 0 : i32
      %parallel_loop3A_99 = arith.constant 256 : i32
      %parallel_loop3A_100 = arith.constant 1 : i32
      scf.for %parallel_loop3A_225 = %parallel_loop3A_98 to %parallel_loop3A_99 step %parallel_loop3A_100  : i32 {
        %parallel_loop3A_226 = arith.constant 16 : i32
        %parallel_loop3A_227 = arith.muli %parallel_loop3A_225, %parallel_loop3A_226 : i32
        %parallel_loop3A_228 = arith.constant 5 : i32
        %parallel_loop3A_229 = arith.index_cast %parallel_loop3A_228 : i32 to index
        %parallel_loop3A_230 = arith.index_cast %parallel_loop3A_227 : i32 to index
        %parallel_loop3A_231 = tpu.vector_load %arg7[%parallel_loop3A_229, %parallel_loop3A_230] {strides = array<i32>} : memref<8x4096xi32, #tpu.memory_space<vmem>>, vector<16xi32>,
        %parallel_loop3A_232 = vector.broadcast %sub3A_97 : i32 to vector<16xi32>
        %parallel_loop3A_233 = arith.shli %parallel_loop3A_231, %parallel_loop3A_232 : vector<16xi32>
        %parallel_loop3A_234 = arith.constant -65536 : i32
        %parallel_loop3A_235 = vector.broadcast %parallel_loop3A_234 : i32 to vector<16xi32>
        %parallel_loop3A_236 = arith.andi %parallel_loop3A_233, %parallel_loop3A_235 : vector<16xi32>
        %parallel_loop3A_237 = arith.constant 5 : i32
        %parallel_loop3A_238 = arith.index_cast %parallel_loop3A_237 : i32 to index
        %parallel_loop3A_239 = arith.index_cast %parallel_loop3A_227 : i32 to index
        %parallel_loop3A_240 = tpu.vector_load %arg7[%parallel_loop3A_238, %parallel_loop3A_239] {strides = array<i32>} : memref<8x4096xi32, #tpu.memory_space<vmem>>, vector<16xi32>,
        tpu.vector_store %arg7[%parallel_loop3A_238, %parallel_loop3A_239], %parallel_loop3A_236 {strides = array<i32>} : memref<8x4096xi32, #tpu.memory_space<vmem>>, vector<16xi32>,
      } {sc.loop_unroll_factor = 8 : i64, sc.parallel_access}
      %slice3A_101 = vector.extract_strided_slice %get3A_35 {offsets = [6], sizes = [1], strides = [1]} : vector<16xi32> to vector<1xi32>
      %squeeze3A_102 = vector.extract %slice3A_101[0] : i32 from vector<1xi32>
      %and3A_103 = arith.constant 1 : i32
      %and3A_104 = arith.andi %squeeze3A_102, %and3A_103 : i32
      %shift_left3A_105 = arith.constant 4 : i32
      %shift_left3A_106 = arith.shli %and3A_104, %shift_left3A_105 : i32
      %sub3A_107 = arith.constant 16 : i32
      %sub3A_108 = arith.subi %sub3A_107, %shift_left3A_106 : i32
      %parallel_loop3A_109 = arith.constant 0 : i32
      %parallel_loop3A_110 = arith.constant 256 : i32
      %parallel_loop3A_111 = arith.constant 1 : i32
      scf.for %parallel_loop3A_225 = %parallel_loop3A_109 to %parallel_loop3A_110 step %parallel_loop3A_111  : i32 {
        %parallel_loop3A_226 = arith.constant 16 : i32
        %parallel_loop3A_227 = arith.muli %parallel_loop3A_225, %parallel_loop3A_226 : i32
        %parallel_loop3A_228 = arith.constant 6 : i32
        %parallel_loop3A_229 = arith.index_cast %parallel_loop3A_228 : i32 to index
        %parallel_loop3A_230 = arith.index_cast %parallel_loop3A_227 : i32 to index
        %parallel_loop3A_231 = tpu.vector_load %arg7[%parallel_loop3A_229, %parallel_loop3A_230] {strides = array<i32>} : memref<8x4096xi32, #tpu.memory_space<vmem>>, vector<16xi32>,
        %parallel_loop3A_232 = vector.broadcast %sub3A_108 : i32 to vector<16xi32>
        %parallel_loop3A_233 = arith.shli %parallel_loop3A_231, %parallel_loop3A_232 : vector<16xi32>
        %parallel_loop3A_234 = arith.constant -65536 : i32
        %parallel_loop3A_235 = vector.broadcast %parallel_loop3A_234 : i32 to vector<16xi32>
        %parallel_loop3A_236 = arith.andi %parallel_loop3A_233, %parallel_loop3A_235 : vector<16xi32>
        %parallel_loop3A_237 = arith.constant 6 : i32
        %parallel_loop3A_238 = arith.index_cast %parallel_loop3A_237 : i32 to index
        %parallel_loop3A_239 = arith.index_cast %parallel_loop3A_227 : i32 to index
        %parallel_loop3A_240 = tpu.vector_load %arg7[%parallel_loop3A_238, %parallel_loop3A_239] {strides = array<i32>} : memref<8x4096xi32, #tpu.memory_space<vmem>>, vector<16xi32>,
        tpu.vector_store %arg7[%parallel_loop3A_238, %parallel_loop3A_239], %parallel_loop3A_236 {strides = array<i32>} : memref<8x4096xi32, #tpu.memory_space<vmem>>, vector<16xi32>,
      } {sc.loop_unroll_factor = 8 : i64, sc.parallel_access}
      %slice3A_112 = vector.extract_strided_slice %get3A_35 {offsets = [7], sizes = [1], strides = [1]} : vector<16xi32> to vector<1xi32>
      %squeeze3A_113 = vector.extract %slice3A_112[0] : i32 from vector<1xi32>
      %and3A_114 = arith.constant 1 : i32
      %and3A_115 = arith.andi %squeeze3A_113, %and3A_114 : i32
      %shift_left3A_116 = arith.constant 4 : i32
      %shift_left3A_117 = arith.shli %and3A_115, %shift_left3A_116 : i32
      %sub3A_118 = arith.constant 16 : i32
      %sub3A_119 = arith.subi %sub3A_118, %shift_left3A_117 : i32
      %parallel_loop3A_120 = arith.constant 0 : i32
      %parallel_loop3A_121 = arith.constant 256 : i32
      %parallel_loop3A_122 = arith.constant 1 : i32
      scf.for %parallel_loop3A_225 = %parallel_loop3A_120 to %parallel_loop3A_121 step %parallel_loop3A_122  : i32 {
        %parallel_loop3A_226 = arith.constant 16 : i32
        %parallel_loop3A_227 = arith.muli %parallel_loop3A_225, %parallel_loop3A_226 : i32
        %parallel_loop3A_228 = arith.constant 7 : i32
        %parallel_loop3A_229 = arith.index_cast %parallel_loop3A_228 : i32 to index
        %parallel_loop3A_230 = arith.index_cast %parallel_loop3A_227 : i32 to index
        %parallel_loop3A_231 = tpu.vector_load %arg7[%parallel_loop3A_229, %parallel_loop3A_230] {strides = array<i32>} : memref<8x4096xi32, #tpu.memory_space<vmem>>, vector<16xi32>,
        %parallel_loop3A_232 = vector.broadcast %sub3A_119 : i32 to vector<16xi32>
        %parallel_loop3A_233 = arith.shli %parallel_loop3A_231, %parallel_loop3A_232 : vector<16xi32>
        %parallel_loop3A_234 = arith.constant -65536 : i32
        %parallel_loop3A_235 = vector.broadcast %parallel_loop3A_234 : i32 to vector<16xi32>
        %parallel_loop3A_236 = arith.andi %parallel_loop3A_233, %parallel_loop3A_235 : vector<16xi32>
        %parallel_loop3A_237 = arith.constant 7 : i32
        %parallel_loop3A_238 = arith.index_cast %parallel_loop3A_237 : i32 to index
        %parallel_loop3A_239 = arith.index_cast %parallel_loop3A_227 : i32 to index
        %parallel_loop3A_240 = tpu.vector_load %arg7[%parallel_loop3A_238, %parallel_loop3A_239] {strides = array<i32>} : memref<8x4096xi32, #tpu.memory_space<vmem>>, vector<16xi32>,
        tpu.vector_store %arg7[%parallel_loop3A_238, %parallel_loop3A_239], %parallel_loop3A_236 {strides = array<i32>} : memref<8x4096xi32, #tpu.memory_space<vmem>>, vector<16xi32>,
      } {sc.loop_unroll_factor = 8 : i64, sc.parallel_access}
      %mul3A_123 = arith.constant 8 : i32
      %mul3A_124 = arith.muli %mul3A_21, %mul3A_123 : i32
      %add3A_125 = arith.addi %mul3A_2, %mul3A_124 : i32
      "tpu.region"() ({
        %run_scoped3A = tpu.sem_alloc : memref<!tpu.dma_semaphore, #tpu.memory_space<semaphore_mem>>
        %dma_start3A_225 = tpu.memref_bitcast %arg4 : memref<8192x4096xf32, #tpu.memory_space<hbm>> -> memref<8192x4096xi32, #tpu.memory_space<hbm>>
        %dma_start3A_226 = arith.constant 0 : i32
        %dma_start3A_227 = tpu.memref_slice %dma_start3A_225[%add3A_125, %dma_start3A_226] : memref<8192x4096xi32, #tpu.memory_space<hbm>> -> memref<8x4096xi32, #tpu.memory_space<hbm>>
        %dma_start3A_228 = tpu.memref_bitcast %arg4 : memref<8192x4096xf32, #tpu.memory_space<hbm>> -> memref<8192x4096xi32, #tpu.memory_space<hbm>>
        %dma_start3A_229 = arith.constant 0 : i32
        %dma_start3A_230 = tpu.memref_slice %dma_start3A_228[%add3A_125, %dma_start3A_229] : memref<8192x4096xi32, #tpu.memory_space<hbm>> -> memref<8x4096xi32, #tpu.memory_space<hbm>>
        tpu.enqueue_dma source(%arg7 : memref<8x4096xi32, #tpu.memory_space<vmem>>) target(%dma_start3A_230 : memref<8x4096xi32, #tpu.memory_space<hbm>>) target_semaphore(%run_scoped3A : memref<!tpu.dma_semaphore, #tpu.memory_space<semaphore_mem>>)
        %dma_wait3A_231 = tpu.memref_bitcast %arg4 : memref<8192x4096xf32, #tpu.memory_space<hbm>> -> memref<8192x4096xi32, #tpu.memory_space<hbm>>
        %dma_wait3A_232 = arith.constant 0 : i32
        %dma_wait3A_233 = tpu.memref_slice %dma_wait3A_231[%add3A_125, %dma_wait3A_232] : memref<8192x4096xi32, #tpu.memory_space<hbm>> -> memref<8x4096xi32, #tpu.memory_space<hbm>>
        %dma_wait3A_234 = tpu.memref_bitcast %arg4 : memref<8192x4096xf32, #tpu.memory_space<hbm>> -> memref<8192x4096xi32, #tpu.memory_space<hbm>>
        %dma_wait3A_235 = arith.constant 0 : i32
        %dma_wait3A_236 = tpu.memref_slice %dma_wait3A_234[%add3A_125, %dma_wait3A_235] : memref<8192x4096xi32, #tpu.memory_space<hbm>> -> memref<8x4096xi32, #tpu.memory_space<hbm>>
        tpu.wait_dma2 semaphore(%run_scoped3A : memref<!tpu.dma_semaphore, #tpu.memory_space<semaphore_mem>>) src(%arg7 : memref<8x4096xi32, #tpu.memory_space<vmem>>) dst(%dma_wait3A_236 : memref<8x4096xi32, #tpu.memory_space<hbm>>)
        tpu.yield
      }) : () -> ()
      %lt3A = arith.constant 15 : i32
      %lt3A_126 = arith.cmpi slt, %scan3A_19, %lt3A : i32
      %convert_element_type3A = arith.extui %lt3A_126 : i1 to i32
      %cond3A = arith.constant 0 : i32
      %cond3A_127 = arith.cmpi ne, %convert_element_type3A, %cond3A : i32
      scf.if %cond3A_127 {
        %add3A_225 = arith.constant 2 : i32
        %add3A_226 = arith.addi %mul3A_21, %add3A_225 : i32
        %mul3A_227 = arith.constant 8 : i32
        %mul3A_228 = arith.muli %add3A_226, %mul3A_227 : i32
        %dma_start3A_229 = tpu.memref_slice %arg6[%mul3A_228] : memref<256xi32, #tpu.memory_space<vmem>> -> memref<8xi32, #tpu.memory_space<vmem>>
        %dma_start3A_230 = tpu.memref_bitcast %arg3 : memref<151936x4096xbf16, #tpu.memory_space<hbm>> -> memref<75968x4096xi32, #tpu.memory_space<hbm>>
        %dma_start3A_231 = arith.constant 0 : i32
        %dma_start3A_232 = arith.constant 0 : i32
        %dma_start3A_233 = tpu.memref_slice %dma_start3A_230[%dma_start3A_231, %dma_start3A_232] : memref<75968x4096xi32, #tpu.memory_space<hbm>> -> memref<75968x4096xi32, #tpu.memory_space<hbm>>
        tpu.enqueue_indirect_dma source(%dma_start3A_233 : memref<75968x4096xi32, #tpu.memory_space<hbm>>) target(%arg7 : memref<8x4096xi32, #tpu.memory_space<vmem>>) offsets(%dma_start3A_229 : memref<8xi32, #tpu.memory_space<vmem>>) semaphore(%arg9 : memref<!tpu.dma_semaphore, #tpu.memory_space<semaphore_mem>>)
      } else {
      }
      %dma_wait3A_128 = arith.constant 0 : i32
      %dma_wait3A_129 = tpu.memref_slice %arg6[%dma_wait3A_128] : memref<256xi32, #tpu.memory_space<vmem>> -> memref<8xi32, #tpu.memory_space<vmem>>
      %dma_wait3A_130 = tpu.memref_bitcast %arg3 : memref<151936x4096xbf16, #tpu.memory_space<hbm>> -> memref<75968x4096xi32, #tpu.memory_space<hbm>>
      %dma_wait3A_131 = arith.constant 0 : i32
      %dma_wait3A_132 = arith.constant 0 : i32
      %dma_wait3A_133 = tpu.memref_slice %dma_wait3A_130[%dma_wait3A_131, %dma_wait3A_132] : memref<75968x4096xi32, #tpu.memory_space<hbm>> -> memref<75968x4096xi32, #tpu.memory_space<hbm>>
      tpu.wait_indirect_dma semaphore(%arg10 : memref<!tpu.dma_semaphore, #tpu.memory_space<semaphore_mem>>) src(%dma_wait3A_133 : memref<75968x4096xi32, #tpu.memory_space<hbm>>) dst(%arg8 : memref<8x4096xi32, #tpu.memory_space<vmem>>)
      %slice3A_134 = vector.extract_strided_slice %get3A_35 {offsets = [8], sizes = [1], strides = [1]} : vector<16xi32> to vector<1xi32>
      %squeeze3A_135 = vector.extract %slice3A_134[0] : i32 from vector<1xi32>
      %and3A_136 = arith.constant 1 : i32
      %and3A_137 = arith.andi %squeeze3A_135, %and3A_136 : i32
      %shift_left3A_138 = arith.constant 4 : i32
      %shift_left3A_139 = arith.shli %and3A_137, %shift_left3A_138 : i32
      %sub3A_140 = arith.constant 16 : i32
      %sub3A_141 = arith.subi %sub3A_140, %shift_left3A_139 : i32
      %parallel_loop3A_142 = arith.constant 0 : i32
      %parallel_loop3A_143 = arith.constant 256 : i32
      %parallel_loop3A_144 = arith.constant 1 : i32
      scf.for %parallel_loop3A_225 = %parallel_loop3A_142 to %parallel_loop3A_143 step %parallel_loop3A_144  : i32 {
        %parallel_loop3A_226 = arith.constant 16 : i32
        %parallel_loop3A_227 = arith.muli %parallel_loop3A_225, %parallel_loop3A_226 : i32
        %parallel_loop3A_228 = arith.constant 0 : i32
        %parallel_loop3A_229 = arith.index_cast %parallel_loop3A_228 : i32 to index
        %parallel_loop3A_230 = arith.index_cast %parallel_loop3A_227 : i32 to index
        %parallel_loop3A_231 = tpu.vector_load %arg8[%parallel_loop3A_229, %parallel_loop3A_230] {strides = array<i32>} : memref<8x4096xi32, #tpu.memory_space<vmem>>, vector<16xi32>,
        %parallel_loop3A_232 = vector.broadcast %sub3A_141 : i32 to vector<16xi32>
        %parallel_loop3A_233 = arith.shli %parallel_loop3A_231, %parallel_loop3A_232 : vector<16xi32>
        %parallel_loop3A_234 = arith.constant -65536 : i32
        %parallel_loop3A_235 = vector.broadcast %parallel_loop3A_234 : i32 to vector<16xi32>
        %parallel_loop3A_236 = arith.andi %parallel_loop3A_233, %parallel_loop3A_235 : vector<16xi32>
        %parallel_loop3A_237 = arith.constant 0 : i32
        %parallel_loop3A_238 = arith.index_cast %parallel_loop3A_237 : i32 to index
        %parallel_loop3A_239 = arith.index_cast %parallel_loop3A_227 : i32 to index
        %parallel_loop3A_240 = tpu.vector_load %arg8[%parallel_loop3A_238, %parallel_loop3A_239] {strides = array<i32>} : memref<8x4096xi32, #tpu.memory_space<vmem>>, vector<16xi32>,
        tpu.vector_store %arg8[%parallel_loop3A_238, %parallel_loop3A_239], %parallel_loop3A_236 {strides = array<i32>} : memref<8x4096xi32, #tpu.memory_space<vmem>>, vector<16xi32>,
      } {sc.loop_unroll_factor = 8 : i64, sc.parallel_access}
      %slice3A_145 = vector.extract_strided_slice %get3A_35 {offsets = [9], sizes = [1], strides = [1]} : vector<16xi32> to vector<1xi32>
      %squeeze3A_146 = vector.extract %slice3A_145[0] : i32 from vector<1xi32>
      %and3A_147 = arith.constant 1 : i32
      %and3A_148 = arith.andi %squeeze3A_146, %and3A_147 : i32
      %shift_left3A_149 = arith.constant 4 : i32
      %shift_left3A_150 = arith.shli %and3A_148, %shift_left3A_149 : i32
      %sub3A_151 = arith.constant 16 : i32
      %sub3A_152 = arith.subi %sub3A_151, %shift_left3A_150 : i32
      %parallel_loop3A_153 = arith.constant 0 : i32
      %parallel_loop3A_154 = arith.constant 256 : i32
      %parallel_loop3A_155 = arith.constant 1 : i32
      scf.for %parallel_loop3A_225 = %parallel_loop3A_153 to %parallel_loop3A_154 step %parallel_loop3A_155  : i32 {
        %parallel_loop3A_226 = arith.constant 16 : i32
        %parallel_loop3A_227 = arith.muli %parallel_loop3A_225, %parallel_loop3A_226 : i32
        %parallel_loop3A_228 = arith.constant 1 : i32
        %parallel_loop3A_229 = arith.index_cast %parallel_loop3A_228 : i32 to index
        %parallel_loop3A_230 = arith.index_cast %parallel_loop3A_227 : i32 to index
        %parallel_loop3A_231 = tpu.vector_load %arg8[%parallel_loop3A_229, %parallel_loop3A_230] {strides = array<i32>} : memref<8x4096xi32, #tpu.memory_space<vmem>>, vector<16xi32>,
        %parallel_loop3A_232 = vector.broadcast %sub3A_152 : i32 to vector<16xi32>
        %parallel_loop3A_233 = arith.shli %parallel_loop3A_231, %parallel_loop3A_232 : vector<16xi32>
        %parallel_loop3A_234 = arith.constant -65536 : i32
        %parallel_loop3A_235 = vector.broadcast %parallel_loop3A_234 : i32 to vector<16xi32>
        %parallel_loop3A_236 = arith.andi %parallel_loop3A_233, %parallel_loop3A_235 : vector<16xi32>
        %parallel_loop3A_237 = arith.constant 1 : i32
        %parallel_loop3A_238 = arith.index_cast %parallel_loop3A_237 : i32 to index
        %parallel_loop3A_239 = arith.index_cast %parallel_loop3A_227 : i32 to index
        %parallel_loop3A_240 = tpu.vector_load %arg8[%parallel_loop3A_238, %parallel_loop3A_239] {strides = array<i32>} : memref<8x4096xi32, #tpu.memory_space<vmem>>, vector<16xi32>,
        tpu.vector_store %arg8[%parallel_loop3A_238, %parallel_loop3A_239], %parallel_loop3A_236 {strides = array<i32>} : memref<8x4096xi32, #tpu.memory_space<vmem>>, vector<16xi32>,
      } {sc.loop_unroll_factor = 8 : i64, sc.parallel_access}
      %slice3A_156 = vector.extract_strided_slice %get3A_35 {offsets = [10], sizes = [1], strides = [1]} : vector<16xi32> to vector<1xi32>
      %squeeze3A_157 = vector.extract %slice3A_156[0] : i32 from vector<1xi32>
      %and3A_158 = arith.constant 1 : i32
      %and3A_159 = arith.andi %squeeze3A_157, %and3A_158 : i32
      %shift_left3A_160 = arith.constant 4 : i32
      %shift_left3A_161 = arith.shli %and3A_159, %shift_left3A_160 : i32
      %sub3A_162 = arith.constant 16 : i32
      %sub3A_163 = arith.subi %sub3A_162, %shift_left3A_161 : i32
      %parallel_loop3A_164 = arith.constant 0 : i32
      %parallel_loop3A_165 = arith.constant 256 : i32
      %parallel_loop3A_166 = arith.constant 1 : i32
      scf.for %parallel_loop3A_225 = %parallel_loop3A_164 to %parallel_loop3A_165 step %parallel_loop3A_166  : i32 {
        %parallel_loop3A_226 = arith.constant 16 : i32
        %parallel_loop3A_227 = arith.muli %parallel_loop3A_225, %parallel_loop3A_226 : i32
        %parallel_loop3A_228 = arith.constant 2 : i32
        %parallel_loop3A_229 = arith.index_cast %parallel_loop3A_228 : i32 to index
        %parallel_loop3A_230 = arith.index_cast %parallel_loop3A_227 : i32 to index
        %parallel_loop3A_231 = tpu.vector_load %arg8[%parallel_loop3A_229, %parallel_loop3A_230] {strides = array<i32>} : memref<8x4096xi32, #tpu.memory_space<vmem>>, vector<16xi32>,
        %parallel_loop3A_232 = vector.broadcast %sub3A_163 : i32 to vector<16xi32>
        %parallel_loop3A_233 = arith.shli %parallel_loop3A_231, %parallel_loop3A_232 : vector<16xi32>
        %parallel_loop3A_234 = arith.constant -65536 : i32
        %parallel_loop3A_235 = vector.broadcast %parallel_loop3A_234 : i32 to vector<16xi32>
        %parallel_loop3A_236 = arith.andi %parallel_loop3A_233, %parallel_loop3A_235 : vector<16xi32>
        %parallel_loop3A_237 = arith.constant 2 : i32
        %parallel_loop3A_238 = arith.index_cast %parallel_loop3A_237 : i32 to index
        %parallel_loop3A_239 = arith.index_cast %parallel_loop3A_227 : i32 to index
        %parallel_loop3A_240 = tpu.vector_load %arg8[%parallel_loop3A_238, %parallel_loop3A_239] {strides = array<i32>} : memref<8x4096xi32, #tpu.memory_space<vmem>>, vector<16xi32>,
        tpu.vector_store %arg8[%parallel_loop3A_238, %parallel_loop3A_239], %parallel_loop3A_236 {strides = array<i32>} : memref<8x4096xi32, #tpu.memory_space<vmem>>, vector<16xi32>,
      } {sc.loop_unroll_factor = 8 : i64, sc.parallel_access}
      %slice3A_167 = vector.extract_strided_slice %get3A_35 {offsets = [11], sizes = [1], strides = [1]} : vector<16xi32> to vector<1xi32>
      %squeeze3A_168 = vector.extract %slice3A_167[0] : i32 from vector<1xi32>
      %and3A_169 = arith.constant 1 : i32
      %and3A_170 = arith.andi %squeeze3A_168, %and3A_169 : i32
      %shift_left3A_171 = arith.constant 4 : i32
      %shift_left3A_172 = arith.shli %and3A_170, %shift_left3A_171 : i32
      %sub3A_173 = arith.constant 16 : i32
      %sub3A_174 = arith.subi %sub3A_173, %shift_left3A_172 : i32
      %parallel_loop3A_175 = arith.constant 0 : i32
      %parallel_loop3A_176 = arith.constant 256 : i32
      %parallel_loop3A_177 = arith.constant 1 : i32
      scf.for %parallel_loop3A_225 = %parallel_loop3A_175 to %parallel_loop3A_176 step %parallel_loop3A_177  : i32 {
        %parallel_loop3A_226 = arith.constant 16 : i32
        %parallel_loop3A_227 = arith.muli %parallel_loop3A_225, %parallel_loop3A_226 : i32
        %parallel_loop3A_228 = arith.constant 3 : i32
        %parallel_loop3A_229 = arith.index_cast %parallel_loop3A_228 : i32 to index
        %parallel_loop3A_230 = arith.index_cast %parallel_loop3A_227 : i32 to index
        %parallel_loop3A_231 = tpu.vector_load %arg8[%parallel_loop3A_229, %parallel_loop3A_230] {strides = array<i32>} : memref<8x4096xi32, #tpu.memory_space<vmem>>, vector<16xi32>,
        %parallel_loop3A_232 = vector.broadcast %sub3A_174 : i32 to vector<16xi32>
        %parallel_loop3A_233 = arith.shli %parallel_loop3A_231, %parallel_loop3A_232 : vector<16xi32>
        %parallel_loop3A_234 = arith.constant -65536 : i32
        %parallel_loop3A_235 = vector.broadcast %parallel_loop3A_234 : i32 to vector<16xi32>
        %parallel_loop3A_236 = arith.andi %parallel_loop3A_233, %parallel_loop3A_235 : vector<16xi32>
        %parallel_loop3A_237 = arith.constant 3 : i32
        %parallel_loop3A_238 = arith.index_cast %parallel_loop3A_237 : i32 to index
        %parallel_loop3A_239 = arith.index_cast %parallel_loop3A_227 : i32 to index
        %parallel_loop3A_240 = tpu.vector_load %arg8[%parallel_loop3A_238, %parallel_loop3A_239] {strides = array<i32>} : memref<8x4096xi32, #tpu.memory_space<vmem>>, vector<16xi32>,
        tpu.vector_store %arg8[%parallel_loop3A_238, %parallel_loop3A_239], %parallel_loop3A_236 {strides = array<i32>} : memref<8x4096xi32, #tpu.memory_space<vmem>>, vector<16xi32>,
      } {sc.loop_unroll_factor = 8 : i64, sc.parallel_access}
      %slice3A_178 = vector.extract_strided_slice %get3A_35 {offsets = [12], sizes = [1], strides = [1]} : vector<16xi32> to vector<1xi32>
      %squeeze3A_179 = vector.extract %slice3A_178[0] : i32 from vector<1xi32>
      %and3A_180 = arith.constant 1 : i32
      %and3A_181 = arith.andi %squeeze3A_179, %and3A_180 : i32
      %shift_left3A_182 = arith.constant 4 : i32
      %shift_left3A_183 = arith.shli %and3A_181, %shift_left3A_182 : i32
      %sub3A_184 = arith.constant 16 : i32
      %sub3A_185 = arith.subi %sub3A_184, %shift_left3A_183 : i32
      %parallel_loop3A_186 = arith.constant 0 : i32
      %parallel_loop3A_187 = arith.constant 256 : i32
      %parallel_loop3A_188 = arith.constant 1 : i32
      scf.for %parallel_loop3A_225 = %parallel_loop3A_186 to %parallel_loop3A_187 step %parallel_loop3A_188  : i32 {
        %parallel_loop3A_226 = arith.constant 16 : i32
        %parallel_loop3A_227 = arith.muli %parallel_loop3A_225, %parallel_loop3A_226 : i32
        %parallel_loop3A_228 = arith.constant 4 : i32
        %parallel_loop3A_229 = arith.index_cast %parallel_loop3A_228 : i32 to index
        %parallel_loop3A_230 = arith.index_cast %parallel_loop3A_227 : i32 to index
        %parallel_loop3A_231 = tpu.vector_load %arg8[%parallel_loop3A_229, %parallel_loop3A_230] {strides = array<i32>} : memref<8x4096xi32, #tpu.memory_space<vmem>>, vector<16xi32>,
        %parallel_loop3A_232 = vector.broadcast %sub3A_185 : i32 to vector<16xi32>
        %parallel_loop3A_233 = arith.shli %parallel_loop3A_231, %parallel_loop3A_232 : vector<16xi32>
        %parallel_loop3A_234 = arith.constant -65536 : i32
        %parallel_loop3A_235 = vector.broadcast %parallel_loop3A_234 : i32 to vector<16xi32>
        %parallel_loop3A_236 = arith.andi %parallel_loop3A_233, %parallel_loop3A_235 : vector<16xi32>
        %parallel_loop3A_237 = arith.constant 4 : i32
        %parallel_loop3A_238 = arith.index_cast %parallel_loop3A_237 : i32 to index
        %parallel_loop3A_239 = arith.index_cast %parallel_loop3A_227 : i32 to index
        %parallel_loop3A_240 = tpu.vector_load %arg8[%parallel_loop3A_238, %parallel_loop3A_239] {strides = array<i32>} : memref<8x4096xi32, #tpu.memory_space<vmem>>, vector<16xi32>,
        tpu.vector_store %arg8[%parallel_loop3A_238, %parallel_loop3A_239], %parallel_loop3A_236 {strides = array<i32>} : memref<8x4096xi32, #tpu.memory_space<vmem>>, vector<16xi32>,
      } {sc.loop_unroll_factor = 8 : i64, sc.parallel_access}
      %slice3A_189 = vector.extract_strided_slice %get3A_35 {offsets = [13], sizes = [1], strides = [1]} : vector<16xi32> to vector<1xi32>
      %squeeze3A_190 = vector.extract %slice3A_189[0] : i32 from vector<1xi32>
      %and3A_191 = arith.constant 1 : i32
      %and3A_192 = arith.andi %squeeze3A_190, %and3A_191 : i32
      %shift_left3A_193 = arith.constant 4 : i32
      %shift_left3A_194 = arith.shli %and3A_192, %shift_left3A_193 : i32
      %sub3A_195 = arith.constant 16 : i32
      %sub3A_196 = arith.subi %sub3A_195, %shift_left3A_194 : i32
      %parallel_loop3A_197 = arith.constant 0 : i32
      %parallel_loop3A_198 = arith.constant 256 : i32
      %parallel_loop3A_199 = arith.constant 1 : i32
      scf.for %parallel_loop3A_225 = %parallel_loop3A_197 to %parallel_loop3A_198 step %parallel_loop3A_199  : i32 {
        %parallel_loop3A_226 = arith.constant 16 : i32
        %parallel_loop3A_227 = arith.muli %parallel_loop3A_225, %parallel_loop3A_226 : i32
        %parallel_loop3A_228 = arith.constant 5 : i32
        %parallel_loop3A_229 = arith.index_cast %parallel_loop3A_228 : i32 to index
        %parallel_loop3A_230 = arith.index_cast %parallel_loop3A_227 : i32 to index
        %parallel_loop3A_231 = tpu.vector_load %arg8[%parallel_loop3A_229, %parallel_loop3A_230] {strides = array<i32>} : memref<8x4096xi32, #tpu.memory_space<vmem>>, vector<16xi32>,
        %parallel_loop3A_232 = vector.broadcast %sub3A_196 : i32 to vector<16xi32>
        %parallel_loop3A_233 = arith.shli %parallel_loop3A_231, %parallel_loop3A_232 : vector<16xi32>
        %parallel_loop3A_234 = arith.constant -65536 : i32
        %parallel_loop3A_235 = vector.broadcast %parallel_loop3A_234 : i32 to vector<16xi32>
        %parallel_loop3A_236 = arith.andi %parallel_loop3A_233, %parallel_loop3A_235 : vector<16xi32>
        %parallel_loop3A_237 = arith.constant 5 : i32
        %parallel_loop3A_238 = arith.index_cast %parallel_loop3A_237 : i32 to index
        %parallel_loop3A_239 = arith.index_cast %parallel_loop3A_227 : i32 to index
        %parallel_loop3A_240 = tpu.vector_load %arg8[%parallel_loop3A_238, %parallel_loop3A_239] {strides = array<i32>} : memref<8x4096xi32, #tpu.memory_space<vmem>>, vector<16xi32>,
        tpu.vector_store %arg8[%parallel_loop3A_238, %parallel_loop3A_239], %parallel_loop3A_236 {strides = array<i32>} : memref<8x4096xi32, #tpu.memory_space<vmem>>, vector<16xi32>,
      } {sc.loop_unroll_factor = 8 : i64, sc.parallel_access}
      %slice3A_200 = vector.extract_strided_slice %get3A_35 {offsets = [14], sizes = [1], strides = [1]} : vector<16xi32> to vector<1xi32>
      %squeeze3A_201 = vector.extract %slice3A_200[0] : i32 from vector<1xi32>
      %and3A_202 = arith.constant 1 : i32
      %and3A_203 = arith.andi %squeeze3A_201, %and3A_202 : i32
      %shift_left3A_204 = arith.constant 4 : i32
      %shift_left3A_205 = arith.shli %and3A_203, %shift_left3A_204 : i32
      %sub3A_206 = arith.constant 16 : i32
      %sub3A_207 = arith.subi %sub3A_206, %shift_left3A_205 : i32
      %parallel_loop3A_208 = arith.constant 0 : i32
      %parallel_loop3A_209 = arith.constant 256 : i32
      %parallel_loop3A_210 = arith.constant 1 : i32
      scf.for %parallel_loop3A_225 = %parallel_loop3A_208 to %parallel_loop3A_209 step %parallel_loop3A_210  : i32 {
        %parallel_loop3A_226 = arith.constant 16 : i32
        %parallel_loop3A_227 = arith.muli %parallel_loop3A_225, %parallel_loop3A_226 : i32
        %parallel_loop3A_228 = arith.constant 6 : i32
        %parallel_loop3A_229 = arith.index_cast %parallel_loop3A_228 : i32 to index
        %parallel_loop3A_230 = arith.index_cast %parallel_loop3A_227 : i32 to index
        %parallel_loop3A_231 = tpu.vector_load %arg8[%parallel_loop3A_229, %parallel_loop3A_230] {strides = array<i32>} : memref<8x4096xi32, #tpu.memory_space<vmem>>, vector<16xi32>,
        %parallel_loop3A_232 = vector.broadcast %sub3A_207 : i32 to vector<16xi32>
        %parallel_loop3A_233 = arith.shli %parallel_loop3A_231, %parallel_loop3A_232 : vector<16xi32>
        %parallel_loop3A_234 = arith.constant -65536 : i32
        %parallel_loop3A_235 = vector.broadcast %parallel_loop3A_234 : i32 to vector<16xi32>
        %parallel_loop3A_236 = arith.andi %parallel_loop3A_233, %parallel_loop3A_235 : vector<16xi32>
        %parallel_loop3A_237 = arith.constant 6 : i32
        %parallel_loop3A_238 = arith.index_cast %parallel_loop3A_237 : i32 to index
        %parallel_loop3A_239 = arith.index_cast %parallel_loop3A_227 : i32 to index
        %parallel_loop3A_240 = tpu.vector_load %arg8[%parallel_loop3A_238, %parallel_loop3A_239] {strides = array<i32>} : memref<8x4096xi32, #tpu.memory_space<vmem>>, vector<16xi32>,
        tpu.vector_store %arg8[%parallel_loop3A_238, %parallel_loop3A_239], %parallel_loop3A_236 {strides = array<i32>} : memref<8x4096xi32, #tpu.memory_space<vmem>>, vector<16xi32>,
      } {sc.loop_unroll_factor = 8 : i64, sc.parallel_access}
      %slice3A_211 = vector.extract_strided_slice %get3A_35 {offsets = [15], sizes = [1], strides = [1]} : vector<16xi32> to vector<1xi32>
      %squeeze3A_212 = vector.extract %slice3A_211[0] : i32 from vector<1xi32>
      %and3A_213 = arith.constant 1 : i32
      %and3A_214 = arith.andi %squeeze3A_212, %and3A_213 : i32
      %shift_left3A_215 = arith.constant 4 : i32
      %shift_left3A_216 = arith.shli %and3A_214, %shift_left3A_215 : i32
      %sub3A_217 = arith.constant 16 : i32
      %sub3A_218 = arith.subi %sub3A_217, %shift_left3A_216 : i32
      %parallel_loop3A_219 = arith.constant 0 : i32
      %parallel_loop3A_220 = arith.constant 256 : i32
      %parallel_loop3A_221 = arith.constant 1 : i32
      scf.for %parallel_loop3A_225 = %parallel_loop3A_219 to %parallel_loop3A_220 step %parallel_loop3A_221  : i32 {
        %parallel_loop3A_226 = arith.constant 16 : i32
        %parallel_loop3A_227 = arith.muli %parallel_loop3A_225, %parallel_loop3A_226 : i32
        %parallel_loop3A_228 = arith.constant 7 : i32
        %parallel_loop3A_229 = arith.index_cast %parallel_loop3A_228 : i32 to index
        %parallel_loop3A_230 = arith.index_cast %parallel_loop3A_227 : i32 to index
        %parallel_loop3A_231 = tpu.vector_load %arg8[%parallel_loop3A_229, %parallel_loop3A_230] {strides = array<i32>} : memref<8x4096xi32, #tpu.memory_space<vmem>>, vector<16xi32>,
        %parallel_loop3A_232 = vector.broadcast %sub3A_218 : i32 to vector<16xi32>
        %parallel_loop3A_233 = arith.shli %parallel_loop3A_231, %parallel_loop3A_232 : vector<16xi32>
        %parallel_loop3A_234 = arith.constant -65536 : i32
        %parallel_loop3A_235 = vector.broadcast %parallel_loop3A_234 : i32 to vector<16xi32>
        %parallel_loop3A_236 = arith.andi %parallel_loop3A_233, %parallel_loop3A_235 : vector<16xi32>
        %parallel_loop3A_237 = arith.constant 7 : i32
        %parallel_loop3A_238 = arith.index_cast %parallel_loop3A_237 : i32 to index
        %parallel_loop3A_239 = arith.index_cast %parallel_loop3A_227 : i32 to index
        %parallel_loop3A_240 = tpu.vector_load %arg8[%parallel_loop3A_238, %parallel_loop3A_239] {strides = array<i32>} : memref<8x4096xi32, #tpu.memory_space<vmem>>, vector<16xi32>,
        tpu.vector_store %arg8[%parallel_loop3A_238, %parallel_loop3A_239], %parallel_loop3A_236 {strides = array<i32>} : memref<8x4096xi32, #tpu.memory_space<vmem>>, vector<16xi32>,
      } {sc.loop_unroll_factor = 8 : i64, sc.parallel_access}
      %mul3A_222 = arith.constant 8 : i32
      %mul3A_223 = arith.muli %add3A_25, %mul3A_222 : i32
      %add3A_224 = arith.addi %mul3A_2, %mul3A_223 : i32
      "tpu.region"() ({
        %run_scoped3A = tpu.sem_alloc : memref<!tpu.dma_semaphore, #tpu.memory_space<semaphore_mem>>
        %dma_start3A_225 = tpu.memref_bitcast %arg4 : memref<8192x4096xf32, #tpu.memory_space<hbm>> -> memref<8192x4096xi32, #tpu.memory_space<hbm>>
        %dma_start3A_226 = arith.constant 0 : i32
        %dma_start3A_227 = tpu.memref_slice %dma_start3A_225[%add3A_224, %dma_start3A_226] : memref<8192x4096xi32, #tpu.memory_space<hbm>> -> memref<8x4096xi32, #tpu.memory_space<hbm>>
        %dma_start3A_228 = tpu.memref_bitcast %arg4 : memref<8192x4096xf32, #tpu.memory_space<hbm>> -> memref<8192x4096xi32, #tpu.memory_space<hbm>>
        %dma_start3A_229 = arith.constant 0 : i32
        %dma_start3A_230 = tpu.memref_slice %dma_start3A_228[%add3A_224, %dma_start3A_229] : memref<8192x4096xi32, #tpu.memory_space<hbm>> -> memref<8x4096xi32, #tpu.memory_space<hbm>>
        tpu.enqueue_dma source(%arg8 : memref<8x4096xi32, #tpu.memory_space<vmem>>) target(%dma_start3A_230 : memref<8x4096xi32, #tpu.memory_space<hbm>>) target_semaphore(%run_scoped3A : memref<!tpu.dma_semaphore, #tpu.memory_space<semaphore_mem>>)
        %dma_wait3A_231 = tpu.memref_bitcast %arg4 : memref<8192x4096xf32, #tpu.memory_space<hbm>> -> memref<8192x4096xi32, #tpu.memory_space<hbm>>
        %dma_wait3A_232 = arith.constant 0 : i32
        %dma_wait3A_233 = tpu.memref_slice %dma_wait3A_231[%add3A_224, %dma_wait3A_232] : memref<8192x4096xi32, #tpu.memory_space<hbm>> -> memref<8x4096xi32, #tpu.memory_space<hbm>>
        %dma_wait3A_234 = tpu.memref_bitcast %arg4 : memref<8192x4096xf32, #tpu.memory_space<hbm>> -> memref<8192x4096xi32, #tpu.memory_space<hbm>>
        %dma_wait3A_235 = arith.constant 0 : i32
        %dma_wait3A_236 = tpu.memref_slice %dma_wait3A_234[%add3A_224, %dma_wait3A_235] : memref<8192x4096xi32, #tpu.memory_space<hbm>> -> memref<8x4096xi32, #tpu.memory_space<hbm>>
        tpu.wait_dma2 semaphore(%run_scoped3A : memref<!tpu.dma_semaphore, #tpu.memory_space<semaphore_mem>>) src(%arg8 : memref<8x4096xi32, #tpu.memory_space<vmem>>) dst(%dma_wait3A_236 : memref<8x4096xi32, #tpu.memory_space<hbm>>)
        tpu.yield
      }) : () -> ()
    }
    %scan3A_18 = arith.constant 16 : i32
    return
  }
}

</mosaic_0001>

<sc_bundles>
// kernel: _emb.3.cloned.1.call-start
scs
__scs_entry_jumppad:
0x0: {  	(pc) =	sbr.rel $0x88, $3  }
0x1: {  	(tag) =	ssettag $0x0;
	lr =	simm.s32 $0x1  }
0x2: {  	[smem:$0x3F9F] =	sst lr;
	_ =	strace $0xD0000000  }
0x3: {  	_ = 	snop  }
0x4: {  	_ = 	snop  }
0x5: {  	_ = 	snop  }
0x6: {  	_ = 	snop  }
0x7: {  	_ = 	snop  }
__scs_overlays_trampoline_lowered:
0x8: {  	[smem:$0x3FAE] =	sst s0  }
0x9: {  	[smem:$0x3FAF] =	sst s1  }
0xa: {  	[smem:$0x3FB0] =	sst s2  }
0xb: {  	[smem:$0x3FB1] =	sst s3  }
0xc: {  	[smem:$0x3FB2] =	sst s4  }
0xd: {  	[smem:$0x3FB3] =	sst s5  }
0xe: {  	[smem:$0x3FB4] =	sst s6  }
0xf: {  	[smem:$0x3FB5] =	sst s7  }
0x10: {  	[smem:$0x3FB6] =	sst s8  }
0x11: {  	[smem:$0x3FB7] =	sst s9;
	s0 =	simm.s32 @!p0 $0x0  }
0x12: {  	s1 =	sld [smem:$0x3F9D];
	s0 =	simm.s32 @p0 $0x1  }
0x13: {  	[smem:$0x3FB8] =	sst s0;
	s0 =	simm.s32 @!p1 $0x0  }
0x14: {  	s2 =	sld [smem:$0x3F9C];
	s0 =	simm.s32 @p1 $0x1  }
0x15: {  	[smem:$0x3FB9] =	sst s0;
	s0 =	simm.s32 @!p2 $0x0  }
0x16: {  	s3 =	sld [smem:$0x3FDB];
	s0 =	simm.s32 @p2 $0x1  }
0x17: {  	s4 =	simm.s32 $0x1BF5;
	[smem:$0x3FBB] =	sst s0  }
0x18: {  	s0 =	sld [smem:$0x3F9E];
	_ =	swait.ge [sflag:s4], $0x0  }
0x19: {  	s7 =	sld [smem:$0x3F9F]  }
0x1a: {  	s8 =	sadd.s32 $0xFFFFE003, lr  }
0x1b: {  	s9 =	sadd.s32 $0xFFFFFEF7, lr;
	s5 =	simm.s32 $0xFFFFFFFF;
	p2 =	slt.u32 s8, $0xFFFFF086  }
0x1c: {  	p1 =	slt.u32 s9, $0xF7A;
	s5 =	simm.s32 @!p2 $0x0  }
0x1d: {  	s5 =	simm.s32 @p1 $0x1;
	p0 =	seq.s32 s7, s2  }
0x1e: {  	s7 =	smul.u32 @!p0 $0xF7A, s2;
	p2 =	seq.s32 @!p0 s5, $0x0  }
0x1f: {  	s9 =	smul.u32 $0xF7A, s1;
	s8 =	simm.s32 @!p0 $0x1BF5;
	p2 =	por !p2, p0  }
0x20: {  	[sflag:s8] =	ssyncset.s32 @!p0 $0xFFFFF086;
	s6 =	sadd.s32 @!p0 s3, s7;
	s7 =	simm.s32 @!p0 $0x108  }
0x21: {  	s3 =	sadd.s32 s3, s9;
	s6 =	sadd.s32 @!p0 $0x88, s6;
	s7 =	simm.s32 @p2 $0x1082  }
0x22: {  	[simem:s7], [sflag:s8] =	dma.local @!p0 [hbm:s6], $0xF7A  }
0x23: {  	s9 =	sor.u32 $0xD0000000, s2;
	s6 =	simm.s32 $0x108;
	_ =	swait.ge @!p0 [sflag:s8], $0x0  }
0x24: {  	s3 =	sadd.s32 $0x88, s3;
	s6 =	simm.s32 @!p1 $0x1082;
	[sflag:s4] =	ssyncset.s32 $0xFFFFF086  }
0x25: {  	[simem:s6], [sflag:s4] =	dma.local [hbm:s3], $0xF7A  }
0x26: {  	[smem:$0x3F9F] =	sst s1;
	(tag) =	ssettag s2;
	_ =	strace s9  }
0x27: {  	s1 =	sld [smem:$0x3FAF]  }
0x28: {  	s2 =	sld [smem:$0x3FB0]  }
0x29: {  	s4 =	sld [smem:$0x3FB2]  }
0x2a: {  	p0 =	seq.s32 s5, $0x0;
	s5 =	sld [smem:$0x3FB3]  }
0x2b: {  	s6 =	sld [smem:$0x3FB4]  }
0x2c: {  	s7 =	sld [smem:$0x3FB5]  }
0x2d: {  	s3 =	simm.s32 $0x108;
	s8 =	sld [smem:$0x3FB6]  }
0x2e: {  	s3 =	simm.s32 @!p0 $0x1082;
	s9 =	sld [smem:$0x3FB7]  }
0x2f: {  	lr =	sadd.s32 s0, s3;
	s0 =	sld [smem:$0x3FAE]  }
0x30: {  	s3 =	sld [smem:$0x3FB1]  }
0x31: {  	[smem:$0x3FBA] =	sst s10  }
0x32: {  	s10 =	sld [smem:$0x3FB8];
	_ =	sdelay $0x3  }
0x33: {  	p0 =	seq.s32 s10, $0x1;
	s10 =	sld [smem:$0x3FBA];
	_ =	sdelay $0x3  }
0x34: {  	[smem:$0x3FBA] =	sst s10  }
0x35: {  	s10 =	sld [smem:$0x3FB9];
	_ =	sdelay $0x3  }
0x36: {  	p1 =	seq.s32 s10, $0x1;
	s10 =	sld [smem:$0x3FBA];
	_ =	sdelay $0x3  }
0x37: {  	[smem:$0x3FBA] =	sst s10  }
0x38: {  	s10 =	sld [smem:$0x3FBB]  }
0x39: {  	_ = 	snop;
	(pc) =	sbr.ind lr, $3  }
0x3a: {  	_ = 	snop  }
0x3b: {  	_ = 	snop  }
0x3c: {  	p2 =	seq.s32 s10, $0x1;
	s10 =	sld [smem:$0x3FBA]  }
0x3d: {  	_ =	shalt  }
0x3e: {  	_ =	shalt  }
0x3f: {  	_ =	shalt  }
0x40: {  	_ =	shalt  }
0x41: {  	_ =	shalt  }
0x42: {  	_ =	shalt  }
0x43: {  	_ =	shalt  }
0x44: {  	_ =	shalt  }
0x45: {  	_ =	shalt  }
0x46: {  	_ =	shalt  }
0x47: {  	_ =	shalt  }
0x48: {  	_ =	shalt  }
0x49: {  	_ =	shalt  }
0x4a: {  	_ =	shalt  }
0x4b: {  	_ =	shalt  }
0x4c: {  	_ =	shalt  }
0x4d: {  	_ =	shalt  }
0x4e: {  	_ =	shalt  }
0x4f: {  	_ =	shalt  }
0x50: {  	_ =	shalt  }
0x51: {  	_ =	shalt  }
0x52: {  	_ =	shalt  }
0x53: {  	_ =	shalt  }
0x54: {  	_ =	shalt  }
0x55: {  	_ =	shalt  }
0x56: {  	_ =	shalt  }
0x57: {  	_ =	shalt  }
0x58: {  	_ =	shalt  }
0x59: {  	_ =	shalt  }
0x5a: {  	_ =	shalt  }
0x5b: {  	_ =	shalt  }
0x5c: {  	_ =	shalt  }
0x5d: {  	_ =	shalt  }
0x5e: {  	_ =	shalt  }
0x5f: {  	_ =	shalt  }
0x60: {  	_ =	shalt  }
0x61: {  	_ =	shalt  }
0x62: {  	_ =	shalt  }
0x63: {  	_ =	shalt  }
0x64: {  	_ =	shalt  }
0x65: {  	_ =	shalt  }
0x66: {  	_ =	shalt  }
0x67: {  	_ =	shalt  }
0x68: {  	_ =	shalt  }
0x69: {  	_ =	shalt  }
0x6a: {  	_ =	shalt  }
0x6b: {  	_ =	shalt  }
0x6c: {  	_ =	shalt  }
0x6d: {  	_ =	shalt  }
0x6e: {  	_ =	shalt  }
0x6f: {  	_ =	shalt  }
0x70: {  	_ =	shalt  }
0x71: {  	_ =	shalt  }
0x72: {  	_ =	shalt  }
0x73: {  	_ =	shalt  }
0x74: {  	_ =	shalt  }
0x75: {  	_ =	shalt  }
0x76: {  	_ =	shalt  }
0x77: {  	_ =	shalt  }
0x78: {  	_ =	shalt  }
0x79: {  	_ =	shalt  }
0x7a: {  	_ =	shalt  }
0x7b: {  	_ =	shalt  }
0x7c: {  	_ =	shalt  }
0x7d: {  	_ =	shalt  }
0x7e: {  	_ =	shalt  }
0x7f: {  	_ =	shalt  }
0x80: {  	_ =	shalt  }
0x81: {  	_ =	shalt  }
0x82: {  	_ =	shalt  }
0x83: {  	_ =	shalt  }
0x84: {  	_ =	shalt  }
0x85: {  	_ =	shalt  }
0x86: {  	_ =	shalt  }
0x87: {  	_ =	shalt  }
.Lfunc_end0:
.L_simem_size_0:
called_computation_lowered:
.L_overlay_start_0:
0x88: {  	s2 =	sld [smem:$0x3FD9]  }
0x89: {  	s3 =	sld [smem:$0x3FFE];
	_ =	sdelay $0x1  }
0x8a: {  	s1 =	srdreg.scid  }
0x8b: {  	s0 =	sand.u32 $0x1, s1  }
0x8c: {  	s18 =	sshll.u32 s0, $0xA;
	s2 =	sadd.s32 s3, s2  }
0x8d: {  	s2 =	sadd.s32 s2, s18  }
0x8e: {  	[smem:$0x3FC6] =	sst s2  }
0x8f: {  	_ = 	snop  }
0x90: {  	s2 =	sld [smem:$0x3FC9]  }
0x91: {  	s19 =	sld [smem:$0x3FC8]  }
0x92: {  	s4 =	sld [smem:$0x3FD0];
	(tm) =	ssettm $0x1  }
0x93: {  	s5 =	sld [smem:$0x3FFB];
	_ =	sdelay $0x3  }
0x94: {  	_ =	strace s5  }
0x95: {  	s5 =	sld [smem:$0x3FFC];
	_ =	sdelay $0x3  }
0x96: {  	_ =	strace s5  }
0x97: {  	s5 =	sld [smem:$0x3FFD];
	_ =	sdelay $0x3  }
0x98: {  	_ =	strace s5  }
0x99: {  	_ =	strace $0x8FFFFFFF  }
0x9a: {  	s20 =	sld [smem:$0x3FDB];
	_ =	sdelay $0x1  }
0x9b: {  	s6 =	simm.s32 $_scs_section_size  }
0x9c: {  	s7 =	simm.s32 $_size__tile_overlayer_lowered;
	s8 =	simm.s32 $_tile_overlayer_lowered  }
0x9d: {  	s23 =	simm.s32 $0x1BFF;
	s22 =	sshll.u32 s8, $0x1;
	s5 =	sadd.s32 s6, s20  }
0x9e: {  	s9 =	simm.s32 $0x0;
	s21 =	sshll.u32 s7, $0x1;
	s7 =	sadd.s32 s22, s5  }
0x9f: {  	[timem:s9], [sflag:s23] =	dma.local [hbm:s7], s21  }
0xa0: {  	_ =	swait.ge [sflag:s23], s21  }
0xa1: {  	s6 =	ssub.s32 $0x0, s21;
	[sflag:s23] =	ssyncset.done $0x0  }
0xa2: {  	[sflag:s23] =	ssyncadd.s32 s6;
	_ =	sdelay $0x1  }
0xa3: {  	s24 =	simm.s32 $0x1B8B  }
0xa4: {  	_ =	swait.ge [sflag:s24], $0x1  }
0xa5: {  	[sflag:s24] =	ssyncset.done $0x0  }
0xa6: {  	s25 =	simm.s32 $0x1B8E;
	[sflag:s24] =	ssyncadd.s32 $0xFFFFFFFF  }
0xa7: {  	s26 =	simm.s32 $execute0_lowered;
	[smem:$0x3FD2] =	sst s25  }
0xa8: {  	s6 =	sshll.u32 s26, $0x1;
	_ =	strace $0x80000046;
	[dreg:$0x1] =	wrdreg $0xFFFFFFFF  }
0xa9: {  	s28 =	simm.s32 $_size_execute0_lowered;
	s5 =	sadd.s32 s5, s6;
	[dreg:$0x0] =	wrdreg $0x0  }
0xaa: {  	s6 =	sshll.u32 s28, $0x1;
	[dreg:$0x2] =	wrdreg s5  }
0xab: {  	[dreg:$0x3] =	wrdreg s6  }
0xac: {  	[dreg:$0x4] =	wrdreg $0xC0  }
0xad: {  	_ =	task [dreg:s9], $0x5FFFF  }
0xae: {  	[dreg:$0x1] =	wrdreg $0xFFFFFFFF  }
0xaf: {  	[dreg:$0x0] =	wrdreg $0x60  }
0xb0: {  	[dreg:$0x2] =	wrdreg s2  }
0xb1: {  	[dreg:$0x3] =	wrdreg s19  }
0xb2: {  	[dreg:$0x4] =	wrdreg s4  }
0xb3: {  	[dreg:$0x5] =	wrdreg $0x9  }
0xb4: {  	_ =	task.clear_ibuf [dreg:s9], $0x6FFFF;
	_ =	strace $0x90000046  }
0xb5: {  	s29 =	simm.s32 $0x9;
	_ =	strace $0x80000048  }
0xb6: {  	_ =	swait.ge [sflag:s29], $0x1  }
0xb7: {  	[sflag:s29] =	ssyncadd.s32 $0xFFFFFFFF  }
0xb8: {  	_ =	strace $0x90000048  }
0xb9: {  	_ =	sfence  }
0xba: {  	s30 =	sld [smem:$0x0];
	_ =	sdelay $0x2  }
0xbb: {  	s31 =	sshll.u32 s1, $0xD;
	s1 =	sshrl.u32 s1, $0x2  }
0xbc: {  	s3 =	sand.u32 $0x4000, s31;
	s1 =	sadd.s32 s1, s30  }
0xbd: {  	s0 =	sor.u32 s3, s0;
	s1 =	sshll.u32 s1, $0x11  }
0xbe: {  	s0 =	sor.u32 s1, s0  }
0xbf: {  	s0 =	sadd.s32 $0x8F2B, s0  }
0xc0: {  	[sflag:s0] =	ssyncadd.remote.s32 $0x1  }
0xc1: {  	_ =	sfence.sel $0xFFFF  }
0xc2: {  	[dreg:$0x0] =	wrdreg $0xFFFFFFFF;
	(pc) =	sbr.abs _section_cstart, $3  }
0xc3: {  	[dreg:$0x1] =	wrdreg $0xFFFFFFFF  }
0xc4: {  	_ =	task.clear_ibuf [dreg:s9], $0x2FFFF;
	_ =	strace $0x9FFFFFFF  }
0xc5: {  	(tm) =	ssettm $0x7FFFFFFF  }
tec
execute0_lowered:
.L_overlay_start_1:
0x0: {  	(tag) =	ssettag $0x1  }
0x1: {  	s0 =	rddreg [dreg:$0x0]  }
0x2: {  	s2 =	rddreg [dreg:$0x1]  }
0x3: {  	s3 =	rddreg [dreg:$0x2]  }
0x4: {  	s1 =	srdreg.scid;
	s5 =	stileid.u32;
	s4 =	simm.s32 $0x0  }
0x5: {  	s23 =	simm.s32 $0x3;
	s24 =	simm.s32 $0x200;
	s31 =	simm.s32 $0xFA00  }
0x6: {  	s25 =	simm.s32 $0x0;
	s1 =	sand.u32 $0x1, s1;
	s5 =	sshll.u32 s5, $0x9  }
0x7: {  	[smem:$0x7FF] =	sst s4;
	s8 =	sadd.s32 $0x100, s2;
	s9 =	sadd.s32 $0x180, s2  }
0x8: {  	s10 =	sadd.s32 $0x200, s2;
	s11 =	sadd.s32 $0x280, s2;
	s12 =	sadd.s32 $0x300, s2  }
0x9: {  	s13 =	sadd.s32 $0x380, s2;
	s14 =	sadd.s32 $0x400, s2;
	s15 =	sadd.s32 $0x480, s2  }
0xa: {  	s16 =	sadd.s32 $0x500, s2;
	s17 =	sadd.s32 $0x580, s2;
	s18 =	sadd.s32 $0x600, s2  }
0xb: {  	s19 =	sadd.s32 $0x680, s2;
	s20 =	sadd.s32 $0x700, s2;
	s6 =	sshll.u32 s1, $0x8  }
0xc: {  	s21 =	sadd.s32 $0x780, s2;
	s1 =	ssub.s32 $0x2, s1;
	s5 =	sor.u32 s6, s5  }
0xd: {  	_ =	strace $0x80000047;
	s29 =	sshrl.u32 s1, $0x1;
	s7 =	sshrl.u32 s5, $0x3  }
0xe: {  	v0 =	vlaneseq.u32;
	s6 =	simm.s32 $0x2;
	s1 =	ssub.s32 s1, s29;
	s0 =	sadd.s32 s0, s7  }
0xf: {  	v1 =	vshrl.u32 v0, $0x3;
	s7 =	sadd.s32 $0x80, s2;
	s30 =	smax.u32 s1, $0x1;
	[dreg:$0x4] =	wrdreg s0  }
0x10: {  	vm0 =	vmmov $0xffff;
	v0 =	vand.u32 $0x7, v0;
	v1 =	vmul.u32 $0x4, v1;
	s1 =	simm.s32 $0x8200;
	[dreg:$0x5] =	wrdreg s30;
	s0 =	simm.s32 $0x1  }
.LBB2_1:
0x11: {  	[dreg:$0x6] =	wrdreg s25  }
0x12: {  	s22 =	rddreg [dreg:$0x4]  }
0x13: {  	[tilespmem:s4], [sflag:$0x3] =	stream.linear.gather [hbm4b:s22+s4], $0x100, $0x38;
	[tilespmem:$0x10200] =	vst v63  }
0x14: {  	_ =	swait.ge [sflag:s23], $0x100  }
0x15: {  	[sflag:s23] =	ssyncset.done $0x0  }
0x16: {  	[sflag:s23] =	ssyncadd.s32 $0xFFFFFF00  }
0x17: {  	v2 =	vld [tilespmem:$0x0]  }
0x18: {  	v3 =	vld [tilespmem:$0x10]  }
0x19: {  	v4 =	vld [tilespmem:$0x20]  }
0x1a: {  	v5 =	vld [tilespmem:$0x30]  }
0x1b: {  	v6 =	vld [tilespmem:$0x40]  }
0x1c: {  	v7 =	vld [tilespmem:$0x50]  }
0x1d: {  	v8 =	vld [tilespmem:$0x60];
	v2 =	vshra.s32 v2, $0x1  }
0x1e: {  	[tilespmem:$0x100] =	vst v2;
	v2 =	vshra.s32 v3, $0x1;
	v3 =	vld [tilespmem:$0x70]  }
0x1f: {  	[tilespmem:$0x110] =	vst v2;
	v2 =	vshra.s32 v4, $0x1;
	v56 =	vld.msk [tilespmem:$0x100], $0xff  }
0x20: {  	v57 =	vld [tilespmem:$0x80];
	[tilespmem:$0x120] =	vst v2;
	v2 =	vshra.s32 v5, $0x1  }
0x21: {  	v58 =	vld [tilespmem:$0x90];
	[tilespmem:$0x130] =	vst v2;
	v2 =	vshra.s32 v6, $0x1  }
0x22: {  	v59 =	vld [tilespmem:$0xA0];
	[tilespmem:$0x140] =	vst v2;
	v2 =	vshra.s32 v7, $0x1  }
0x23: {  	v60 =	vld [tilespmem:$0xB0];
	[tilespmem:$0x150] =	vst v2;
	v2 =	vshra.s32 v8, $0x1  }
0x24: {  	[tilespmem:$0x160] =	vst v2;
	v2 =	vshra.s32 v3, $0x1;
	v3 =	vld [tilespmem:$0xC0];
	v9 =	vshll.u32 v56, $0x5  }
0x25: {  	v61 =	vld [tilespmem:$0xD0];
	v4 =	vand.u32 $0x3, v56;
	[tilespmem:$0x170] =	vst v2;
	v2 =	vshra.s32 v57, $0x1;
	v9 =	vand.u32 $0xFFFFFF80, v9  }
0x26: {  	v62 =	vld [tilespmem:$0xE0];
	[tilespmem:$0x180] =	vst v2;
	v2 =	vshra.s32 v58, $0x1;
	v4 =	vor.u32 v4, v9  }
0x27: {  	v63 =	vld [tilespmem:$0xF0];
	[tilespmem:$0x190] =	vst v2;
	v2 =	vshra.s32 v59, $0x1;
	v4 =	vperm.xlane v4, v0  }
0x28: {  	[tilespmem:$0x1A0] =	vst v2;
	v2 =	vshra.s32 v60, $0x1  }
0x29: {  	[tilespmem:$0x1B0] =	vst v2;
	v2 =	vshra.s32 v3, $0x1;
	v3 =	vadd.s32 v1, v4  }
0x2a: {  	[tilespmem:$0x1C0] =	vst v2;
	v2 =	vshra.s32 v61, $0x1  }
0x2b: {  	[tilespmem:$0x1D0] =	vst v2;
	v2 =	vshra.s32 v62, $0x1  }
0x2c: {  	[tilespmem:$0x1E0] =	vst v2;
	v2 =	vshra.s32 v63, $0x1  }
0x2d: {  	[tilespmem:$0x1F0] =	vst v2  }
0x2e: {  	[tilespmem:s24], [sflag:$0x1] =	stream.indirect_vreg.gather [hbm4b:s2+s4], $0x80, v3, vm0, $0xb8;
	[tilespmem:$0x10200] =	vst v63  }
0x2f: {  	s25 =	simm.s32 $0xA00  }
0x30: {  	[tilespmem:s25], [sflag:$0x1] =	stream.indirect_vreg.gather [hbm4b:s7+s4], $0x80, v3, vm0, $0xb8;
	[tilespmem:$0x10200] =	vst v63  }
0x31: {  	s26 =	simm.s32 $0x1200  }
0x32: {  	[tilespmem:s26], [sflag:$0x1] =	stream.indirect_vreg.gather [hbm4b:s8+s4], $0x80, v3, vm0, $0xb8;
	[tilespmem:$0x10200] =	vst v63  }
0x33: {  	s28 =	simm.s32 $0x1A00  }
0x34: {  	[tilespmem:s28], [sflag:$0x1] =	stream.indirect_vreg.gather [hbm4b:s9+s4], $0x80, v3, vm0, $0xb8;
	[tilespmem:$0x10200] =	vst v63  }
0x35: {  	s29 =	simm.s32 $0x2200  }
0x36: {  	[tilespmem:s29], [sflag:$0x1] =	stream.indirect_vreg.gather [hbm4b:s10+s4], $0x80, v3, vm0, $0xb8;
	[tilespmem:$0x10200] =	vst v63  }
0x37: {  	s30 =	simm.s32 $0x2A00  }
0x38: {  	[tilespmem:s30], [sflag:$0x1] =	stream.indirect_vreg.gather [hbm4b:s11+s4], $0x80, v3, vm0, $0xb8;
	[tilespmem:$0x10200] =	vst v63  }
0x39: {  	s25 =	simm.s32 $0x3200  }
0x3a: {  	[tilespmem:s25], [sflag:$0x1] =	stream.indirect_vreg.gather [hbm4b:s12+s4], $0x80, v3, vm0, $0xb8;
	[tilespmem:$0x10200] =	vst v63  }
0x3b: {  	s26 =	simm.s32 $0x3A00  }
0x3c: {  	[tilespmem:s26], [sflag:$0x1] =	stream.indirect_vreg.gather [hbm4b:s13+s4], $0x80, v3, vm0, $0xb8;
	[tilespmem:$0x10200] =	vst v63  }
0x3d: {  	s28 =	simm.s32 $0x4200  }
0x3e: {  	[tilespmem:s28], [sflag:$0x1] =	stream.indirect_vreg.gather [hbm4b:s14+s4], $0x80, v3, vm0, $0xb8;
	[tilespmem:$0x10200] =	vst v63  }
0x3f: {  	s29 =	simm.s32 $0x4A00  }
0x40: {  	[tilespmem:s29], [sflag:$0x1] =	stream.indirect_vreg.gather [hbm4b:s15+s4], $0x80, v3, vm0, $0xb8;
	[tilespmem:$0x10200] =	vst v63  }
0x41: {  	s30 =	simm.s32 $0x5200  }
0x42: {  	[tilespmem:s30], [sflag:$0x1] =	stream.indirect_vreg.gather [hbm4b:s16+s4], $0x80, v3, vm0, $0xb8;
	[tilespmem:$0x10200] =	vst v63  }
0x43: {  	s25 =	simm.s32 $0x5A00  }
0x44: {  	[tilespmem:s25], [sflag:$0x1] =	stream.indirect_vreg.gather [hbm4b:s17+s4], $0x80, v3, vm0, $0xb8;
	[tilespmem:$0x10200] =	vst v63  }
0x45: {  	s26 =	simm.s32 $0x6200  }
0x46: {  	[tilespmem:s26], [sflag:$0x1] =	stream.indirect_vreg.gather [hbm4b:s18+s4], $0x80, v3, vm0, $0xb8;
	[tilespmem:$0x10200] =	vst v63  }
0x47: {  	s28 =	simm.s32 $0x6A00  }
0x48: {  	[tilespmem:s28], [sflag:$0x1] =	stream.indirect_vreg.gather [hbm4b:s19+s4], $0x80, v3, vm0, $0xb8;
	[tilespmem:$0x10200] =	vst v63  }
0x49: {  	s29 =	simm.s32 $0x7200  }
0x4a: {  	[tilespmem:s29], [sflag:$0x1] =	stream.indirect_vreg.gather [hbm4b:s20+s4], $0x80, v3, vm0, $0xb8;
	[tilespmem:$0x10200] =	vst v63  }
0x4b: {  	s22 =	simm.s32 $0x0;
	s30 =	simm.s32 $0x7A00  }
0x4c: {  	[tilespmem:s30], [sflag:$0x1] =	stream.indirect_vreg.gather [hbm4b:s21+s4], $0x80, v3, vm0, $0xb8;
	[tilespmem:$0x10200] =	vst v63  }
.LBB2_2:
0x4d: {  	s26 =	sshll.u32 s22, $0x4  }
0x4e: {  	v2 =	vld.msk [tilespmem:s26+$0x108], $0xff;
	_ =	sdelay $0x4  }
0x4f: {  	v3 =	vshll.u32 v2, $0x5  }
0x50: {  	v2 =	vand.u32 $0x3, v2;
	v3 =	vand.u32 $0xFFFFFF80, v3  }
0x51: {  	v2 =	vor.u32 v2, v3  }
0x52: {  	v2 =	vperm.xlane v2, v0;
	_ =	sdelay $0x1  }
0x53: {  	v2 =	vadd.s32 v1, v2;
	_ =	sdelay $0x4  }
0x54: {  	[tilespmem:s1], [sflag:$0x2] =	stream.indirect_vreg.gather [hbm4b:s2+s4], $0x80, v2, vm0, $0xb8;
	[tilespmem:$0x10200] =	vst v63  }
0x55: {  	s25 =	simm.s32 $0x8A00  }
0x56: {  	[tilespmem:s25], [sflag:$0x2] =	stream.indirect_vreg.gather [hbm4b:s7+s4], $0x80, v2, vm0, $0xb8;
	[tilespmem:$0x10200] =	vst v63  }
0x57: {  	s25 =	simm.s32 $0x9200  }
0x58: {  	[tilespmem:s25], [sflag:$0x2] =	stream.indirect_vreg.gather [hbm4b:s8+s4], $0x80, v2, vm0, $0xb8;
	[tilespmem:$0x10200] =	vst v63  }
0x59: {  	s25 =	simm.s32 $0x9A00  }
0x5a: {  	[tilespmem:s25], [sflag:$0x2] =	stream.indirect_vreg.gather [hbm4b:s9+s4], $0x80, v2, vm0, $0xb8;
	[tilespmem:$0x10200] =	vst v63  }
0x5b: {  	s25 =	simm.s32 $0xA200  }
0x5c: {  	[tilespmem:s25], [sflag:$0x2] =	stream.indirect_vreg.gather [hbm4b:s10+s4], $0x80, v2, vm0, $0xb8;
	[tilespmem:$0x10200] =	vst v63  }
0x5d: {  	s25 =	simm.s32 $0xAA00  }
0x5e: {  	[tilespmem:s25], [sflag:$0x2] =	stream.indirect_vreg.gather [hbm4b:s11+s4], $0x80, v2, vm0, $0xb8;
	[tilespmem:$0x10200] =	vst v63  }
0x5f: {  	s25 =	simm.s32 $0xB200  }
0x60: {  	[tilespmem:s25], [sflag:$0x2] =	stream.indirect_vreg.gather [hbm4b:s12+s4], $0x80, v2, vm0, $0xb8;
	[tilespmem:$0x10200] =	vst v63  }
0x61: {  	s25 =	simm.s32 $0xBA00  }
0x62: {  	[tilespmem:s25], [sflag:$0x2] =	stream.indirect_vreg.gather [hbm4b:s13+s4], $0x80, v2, vm0, $0xb8;
	[tilespmem:$0x10200] =	vst v63  }
0x63: {  	s25 =	simm.s32 $0xC200  }
0x64: {  	[tilespmem:s25], [sflag:$0x2] =	stream.indirect_vreg.gather [hbm4b:s14+s4], $0x80, v2, vm0, $0xb8;
	[tilespmem:$0x10200] =	vst v63  }
0x65: {  	s25 =	simm.s32 $0xCA00  }
0x66: {  	[tilespmem:s25], [sflag:$0x2] =	stream.indirect_vreg.gather [hbm4b:s15+s4], $0x80, v2, vm0, $0xb8;
	[tilespmem:$0x10200] =	vst v63  }
0x67: {  	s25 =	simm.s32 $0xD200  }
0x68: {  	[tilespmem:s25], [sflag:$0x2] =	stream.indirect_vreg.gather [hbm4b:s16+s4], $0x80, v2, vm0, $0xb8;
	[tilespmem:$0x10200] =	vst v63  }
0x69: {  	s25 =	simm.s32 $0xDA00  }
0x6a: {  	[tilespmem:s25], [sflag:$0x2] =	stream.indirect_vreg.gather [hbm4b:s17+s4], $0x80, v2, vm0, $0xb8;
	[tilespmem:$0x10200] =	vst v63  }
0x6b: {  	s25 =	simm.s32 $0xE200  }
0x6c: {  	[tilespmem:s25], [sflag:$0x2] =	stream.indirect_vreg.gather [hbm4b:s18+s4], $0x80, v2, vm0, $0xb8;
	[tilespmem:$0x10200] =	vst v63  }
0x6d: {  	s25 =	simm.s32 $0xEA00  }
0x6e: {  	[tilespmem:s25], [sflag:$0x2] =	stream.indirect_vreg.gather [hbm4b:s19+s4], $0x80, v2, vm0, $0xb8;
	[tilespmem:$0x10200] =	vst v63  }
0x6f: {  	s25 =	simm.s32 $0xF200  }
0x70: {  	[tilespmem:s25], [sflag:$0x2] =	stream.indirect_vreg.gather [hbm4b:s20+s4], $0x80, v2, vm0, $0xb8;
	[tilespmem:$0x10200] =	vst v63  }
0x71: {  	_ = 	snop  }
0x72: {  	[tilespmem:s31], [sflag:$0x2] =	stream.indirect_vreg.gather [hbm4b:s21+s4], $0x80, v2, vm0, $0xb8;
	[tilespmem:$0x10200] =	vst v63  }
0x73: {  	v2 =	vld [tilespmem:s26+$0x0];
	_ =	sdelay $0x3  }
0x74: {  	_ =	swait.ge [sflag:s0], $0x8000  }
0x75: {  	(v2sf) =	vpush v2, $0x0;
	_ =	sdelay $0xc  }
0x76: {  	[sflag:s0] =	ssyncset.done $0x0  }
0x77: {  	s28 =	simm.s32 $0x240;
	[sflag:s0] =	ssyncadd.s32 $0xFFFF8000  }
0x78: {  	v5 =	vld [tilespmem:s28+$0x30];
	s25 =	spop (v2sf)  }
0x79: {  	v8 =	vld [tilespmem:s28+$0xFFFFFFD0];
	s25 =	sxor.u32 $0xFFFFFFFF, s25  }
0x7a: {  	v10 =	vld [tilespmem:s28+$0xFFFFFFE0];
	s25 =	sshll.u32 s25, $0x4  }
0x7b: {  	v7 =	vld [tilespmem:s28+$0xFFFFFFF0];
	s25 =	sand.u32 $0x10, s25  }
0x7c: {  	v6 =	vld [tilespmem:s28+$0x0];
	v3 =	vmov s25  }
0x7d: {  	v4 =	vld [tilespmem:s28+$0x10];
	v9 =	vshll.u32 v5, v3  }
0x7e: {  	v11 =	vshll.u32 v8, v3;
	v5 =	vld [tilespmem:s28+$0x20];
	v12 =	vand.u32 $0xFFFF0000, v9  }
0x7f: {  	s29 =	simm.s32 $0x0;
	s30 =	simm.s32 $0x640;
	s25 =	sor.u32 $0x8, s26;
	v8 =	vld [tilespmem:s28+$0xFFFFFFC0];
	v10 =	vshll.u32 v10, v3;
	v9 =	vand.u32 $0xFFFF0000, v11;
	[tilespmem:s28+$0x30] =	vst v12  }
.LBB2_3:
0x80: {  	v11 =	vld [tilespmem:s30+$0x30];
	s29 =	sadd.s32 $0x8, s29;
	[tilespmem:s28+$0xFFFFFFD0] =	vst v9;
	v9 =	vand.u32 $0xFFFF0000, v10;
	v7 =	vshll.u32 v7, v3  }
0x81: {  	v10 =	vld [tilespmem:s30+$0xFFFFFFD0];
	p0 =	slt.u32 s29, $0xF8;
	[tilespmem:s28+$0xFFFFFFE0] =	vst v9;
	v7 =	vand.u32 $0xFFFF0000, v7;
	v6 =	vshll.u32 v6, v3  }
0x82: {  	v12 =	vld [tilespmem:s30+$0xFFFFFFE0];
	[tilespmem:s28+$0xFFFFFFF0] =	vst v7;
	v6 =	vand.u32 $0xFFFF0000, v6;
	v4 =	vshll.u32 v4, v3  }
.Ltmp0:
0x83: {  	v7 =	vld [tilespmem:s30+$0xFFFFFFF0];
	[tilespmem:s28+$0x0] =	vst v6;
	v4 =	vand.u32 $0xFFFF0000, v4;
	v5 =	vshll.u32 v5, v3;
	(pc) =	sbr.rel @p0 .LBB2_3-.Ltmp0, $4  }
0x84: {  	v6 =	vld [tilespmem:s30+$0x0];
	v8 =	vshll.u32 v8, v3;
	[tilespmem:s28+$0x10] =	vst v4;
	v5 =	vand.u32 $0xFFFF0000, v5  }
0x85: {  	v4 =	vld [tilespmem:s30+$0x10];
	v9 =	vshll.u32 v11, v3;
	v8 =	vand.u32 $0xFFFF0000, v8;
	[tilespmem:s28+$0x20] =	vst v5  }
0x86: {  	v10 =	vshll.u32 v10, v3;
	v5 =	vld [tilespmem:s30+$0x20];
	v11 =	vand.u32 $0xFFFF0000, v9;
	[tilespmem:s28+$0xFFFFFFC0] =	vst v8;
	s28 =	smov.u32 s30  }
0x87: {  	s30 =	sadd.s32 $0x400, s30;
	v8 =	vld [tilespmem:s28+$0xFFFFFFC0];
	v9 =	vand.u32 $0xFFFF0000, v10;
	v10 =	vshll.u32 v12, v3;
	[tilespmem:s28+$0x30] =	vst v11  }
0x88: {  	(v2sf) =	vpush v2, $0x1;
	_ =	sdelay $0x7  }
0x89: {  	[tilespmem:s28+$0xFFFFFFD0] =	vst v9;
	v9 =	vand.u32 $0xFFFF0000, v10;
	v7 =	vshll.u32 v7, v3  }
0x8a: {  	[tilespmem:s28+$0xFFFFFFE0] =	vst v9;
	v7 =	vand.u32 $0xFFFF0000, v7;
	v6 =	vshll.u32 v6, v3  }
0x8b: {  	[tilespmem:s28+$0xFFFFFFF0] =	vst v7;
	v6 =	vand.u32 $0xFFFF0000, v6;
	v4 =	vshll.u32 v4, v3  }
0x8c: {  	[tilespmem:s28+$0x0] =	vst v6;
	v4 =	vand.u32 $0xFFFF0000, v4;
	v5 =	vshll.u32 v5, v3  }
0x8d: {  	v3 =	vshll.u32 v8, v3;
	[tilespmem:s28+$0x10] =	vst v4;
	v4 =	vand.u32 $0xFFFF0000, v5  }
0x8e: {  	v3 =	vand.u32 $0xFFFF0000, v3;
	[tilespmem:s28+$0x20] =	vst v4  }
0x8f: {  	[tilespmem:s28+$0xFFFFFFC0] =	vst v3;
	s28 =	simm.s32 $0x2F0  }
0x90: {  	v5 =	vld [tilespmem:s28+$0x0];
	s29 =	spop (v2sf)  }
0x91: {  	v8 =	vld [tilespmem:s28+$0xFFFFFFA0];
	s29 =	sxor.u32 $0xFFFFFFFF, s29  }
0x92: {  	v10 =	vld [tilespmem:s28+$0xFFFFFFB0];
	s29 =	sshll.u32 s29, $0x4  }
0x93: {  	v7 =	vld [tilespmem:s28+$0xFFFFFFC0];
	s29 =	sand.u32 $0x10, s29  }
0x94: {  	v6 =	vld [tilespmem:s28+$0xFFFFFFD0];
	v3 =	vmov s29  }
0x95: {  	v4 =	vld [tilespmem:s28+$0xFFFFFFE0];
	v9 =	vshll.u32 v5, v3  }
0x96: {  	v11 =	vshll.u32 v8, v3;
	v5 =	vld [tilespmem:s28+$0xFFFFFFF0];
	v12 =	vand.u32 $0xFFFF0000, v9  }
0x97: {  	s30 =	simm.s32 $0x6F0;
	s29 =	simm.s32 $0x0;
	v8 =	vld [tilespmem:s28+$0xFFFFFF90];
	v10 =	vshll.u32 v10, v3;
	v9 =	vand.u32 $0xFFFF0000, v11;
	[tilespmem:s28+$0x0] =	vst v12  }
.LBB2_5:
0x98: {  	v11 =	vld [tilespmem:s30+$0x0];
	s29 =	sadd.s32 $0x8, s29;
	[tilespmem:s28+$0xFFFFFFA0] =	vst v9;
	v9 =	vand.u32 $0xFFFF0000, v10;
	v7 =	vshll.u32 v7, v3  }
0x99: {  	v10 =	vld [tilespmem:s30+$0xFFFFFFA0];
	p0 =	slt.u32 s29, $0xF8;
	[tilespmem:s28+$0xFFFFFFB0] =	vst v9;
	v7 =	vand.u32 $0xFFFF0000, v7;
	v6 =	vshll.u32 v6, v3  }
0x9a: {  	v12 =	vld [tilespmem:s30+$0xFFFFFFB0];
	[tilespmem:s28+$0xFFFFFFC0] =	vst v7;
	v6 =	vand.u32 $0xFFFF0000, v6;
	v4 =	vshll.u32 v4, v3  }
.Ltmp1:
0x9b: {  	v7 =	vld [tilespmem:s30+$0xFFFFFFC0];
	[tilespmem:s28+$0xFFFFFFD0] =	vst v6;
	v4 =	vand.u32 $0xFFFF0000, v4;
	v5 =	vshll.u32 v5, v3;
	(pc) =	sbr.rel @p0 .LBB2_5-.Ltmp1, $4  }
0x9c: {  	v6 =	vld [tilespmem:s30+$0xFFFFFFD0];
	v8 =	vshll.u32 v8, v3;
	[tilespmem:s28+$0xFFFFFFE0] =	vst v4;
	v5 =	vand.u32 $0xFFFF0000, v5  }
0x9d: {  	v4 =	vld [tilespmem:s30+$0xFFFFFFE0];
	v9 =	vshll.u32 v11, v3;
	v8 =	vand.u32 $0xFFFF0000, v8;
	[tilespmem:s28+$0xFFFFFFF0] =	vst v5  }
0x9e: {  	v10 =	vshll.u32 v10, v3;
	v5 =	vld [tilespmem:s30+$0xFFFFFFF0];
	v11 =	vand.u32 $0xFFFF0000, v9;
	[tilespmem:s28+$0xFFFFFF90] =	vst v8;
	s28 =	smov.u32 s30  }
0x9f: {  	s30 =	sadd.s32 $0x400, s30;
	v8 =	vld [tilespmem:s28+$0xFFFFFF90];
	v9 =	vand.u32 $0xFFFF0000, v10;
	v10 =	vshll.u32 v12, v3;
	[tilespmem:s28+$0x0] =	vst v11  }
0xa0: {  	(v2sf) =	vpush v2, $0x2;
	_ =	sdelay $0x7  }
0xa1: {  	[tilespmem:s28+$0xFFFFFFA0] =	vst v9;
	v9 =	vand.u32 $0xFFFF0000, v10;
	v7 =	vshll.u32 v7, v3  }
0xa2: {  	[tilespmem:s28+$0xFFFFFFB0] =	vst v9;
	v7 =	vand.u32 $0xFFFF0000, v7;
	v6 =	vshll.u32 v6, v3  }
0xa3: {  	[tilespmem:s28+$0xFFFFFFC0] =	vst v7;
	v6 =	vand.u32 $0xFFFF0000, v6;
	v4 =	vshll.u32 v4, v3  }
0xa4: {  	[tilespmem:s28+$0xFFFFFFD0] =	vst v6;
	v4 =	vand.u32 $0xFFFF0000, v4;
	v5 =	vshll.u32 v5, v3  }
0xa5: {  	v3 =	vshll.u32 v8, v3;
	[tilespmem:s28+$0xFFFFFFE0] =	vst v4;
	v4 =	vand.u32 $0xFFFF0000, v5  }
0xa6: {  	v3 =	vand.u32 $0xFFFF0000, v3;
	[tilespmem:s28+$0xFFFFFFF0] =	vst v4  }
0xa7: {  	[tilespmem:s28+$0xFFFFFF90] =	vst v3;
	s28 =	simm.s32 $0x370  }
0xa8: {  	v5 =	vld [tilespmem:s28+$0x0];
	s29 =	spop (v2sf)  }
0xa9: {  	v8 =	vld [tilespmem:s28+$0xFFFFFFA0];
	s29 =	sxor.u32 $0xFFFFFFFF, s29  }
0xaa: {  	v10 =	vld [tilespmem:s28+$0xFFFFFFB0];
	s29 =	sshll.u32 s29, $0x4  }
0xab: {  	v7 =	vld [tilespmem:s28+$0xFFFFFFC0];
	s29 =	sand.u32 $0x10, s29  }
0xac: {  	v6 =	vld [tilespmem:s28+$0xFFFFFFD0];
	v3 =	vmov s29  }
0xad: {  	v4 =	vld [tilespmem:s28+$0xFFFFFFE0];
	v9 =	vshll.u32 v5, v3  }
0xae: {  	v11 =	vshll.u32 v8, v3;
	v5 =	vld [tilespmem:s28+$0xFFFFFFF0];
	v12 =	vand.u32 $0xFFFF0000, v9  }
0xaf: {  	s30 =	simm.s32 $0x770;
	s29 =	simm.s32 $0x0;
	v8 =	vld [tilespmem:s28+$0xFFFFFF90];
	v10 =	vshll.u32 v10, v3;
	v9 =	vand.u32 $0xFFFF0000, v11;
	[tilespmem:s28+$0x0] =	vst v12  }
.LBB2_7:
0xb0: {  	v11 =	vld [tilespmem:s30+$0x0];
	s29 =	sadd.s32 $0x8, s29;
	[tilespmem:s28+$0xFFFFFFA0] =	vst v9;
	v9 =	vand.u32 $0xFFFF0000, v10;
	v7 =	vshll.u32 v7, v3  }
0xb1: {  	v10 =	vld [tilespmem:s30+$0xFFFFFFA0];
	p0 =	slt.u32 s29, $0xF8;
	[tilespmem:s28+$0xFFFFFFB0] =	vst v9;
	v7 =	vand.u32 $0xFFFF0000, v7;
	v6 =	vshll.u32 v6, v3  }
0xb2: {  	v12 =	vld [tilespmem:s30+$0xFFFFFFB0];
	[tilespmem:s28+$0xFFFFFFC0] =	vst v7;
	v6 =	vand.u32 $0xFFFF0000, v6;
	v4 =	vshll.u32 v4, v3  }
.Ltmp2:
0xb3: {  	v7 =	vld [tilespmem:s30+$0xFFFFFFC0];
	[tilespmem:s28+$0xFFFFFFD0] =	vst v6;
	v4 =	vand.u32 $0xFFFF0000, v4;
	v5 =	vshll.u32 v5, v3;
	(pc) =	sbr.rel @p0 .LBB2_7-.Ltmp2, $4  }
0xb4: {  	v6 =	vld [tilespmem:s30+$0xFFFFFFD0];
	v8 =	vshll.u32 v8, v3;
	[tilespmem:s28+$0xFFFFFFE0] =	vst v4;
	v5 =	vand.u32 $0xFFFF0000, v5  }
0xb5: {  	v4 =	vld [tilespmem:s30+$0xFFFFFFE0];
	v9 =	vshll.u32 v11, v3;
	v8 =	vand.u32 $0xFFFF0000, v8;
	[tilespmem:s28+$0xFFFFFFF0] =	vst v5  }
0xb6: {  	v10 =	vshll.u32 v10, v3;
	v5 =	vld [tilespmem:s30+$0xFFFFFFF0];
	v11 =	vand.u32 $0xFFFF0000, v9;
	[tilespmem:s28+$0xFFFFFF90] =	vst v8;
	s28 =	smov.u32 s30  }
0xb7: {  	s30 =	sadd.s32 $0x400, s30;
	v8 =	vld [tilespmem:s28+$0xFFFFFF90];
	v9 =	vand.u32 $0xFFFF0000, v10;
	v10 =	vshll.u32 v12, v3;
	[tilespmem:s28+$0x0] =	vst v11  }
0xb8: {  	(v2sf) =	vpush v2, $0x3;
	_ =	sdelay $0x7  }
0xb9: {  	[tilespmem:s28+$0xFFFFFFA0] =	vst v9;
	v9 =	vand.u32 $0xFFFF0000, v10;
	v7 =	vshll.u32 v7, v3  }
0xba: {  	[tilespmem:s28+$0xFFFFFFB0] =	vst v9;
	v7 =	vand.u32 $0xFFFF0000, v7;
	v6 =	vshll.u32 v6, v3  }
0xbb: {  	[tilespmem:s28+$0xFFFFFFC0] =	vst v7;
	v6 =	vand.u32 $0xFFFF0000, v6;
	v4 =	vshll.u32 v4, v3  }
0xbc: {  	[tilespmem:s28+$0xFFFFFFD0] =	vst v6;
	v4 =	vand.u32 $0xFFFF0000, v4;
	v5 =	vshll.u32 v5, v3  }
0xbd: {  	v3 =	vshll.u32 v8, v3;
	[tilespmem:s28+$0xFFFFFFE0] =	vst v4;
	v4 =	vand.u32 $0xFFFF0000, v5  }
0xbe: {  	v3 =	vand.u32 $0xFFFF0000, v3;
	[tilespmem:s28+$0xFFFFFFF0] =	vst v4  }
0xbf: {  	[tilespmem:s28+$0xFFFFFF90] =	vst v3;
	s28 =	simm.s32 $0x3F0  }
0xc0: {  	v5 =	vld [tilespmem:s28+$0x0];
	s29 =	spop (v2sf)  }
0xc1: {  	v8 =	vld [tilespmem:s28+$0xFFFFFFA0];
	s29 =	sxor.u32 $0xFFFFFFFF, s29  }
0xc2: {  	v10 =	vld [tilespmem:s28+$0xFFFFFFB0];
	s29 =	sshll.u32 s29, $0x4  }
0xc3: {  	v7 =	vld [tilespmem:s28+$0xFFFFFFC0];
	s29 =	sand.u32 $0x10, s29  }
0xc4: {  	v6 =	vld [tilespmem:s28+$0xFFFFFFD0];
	v3 =	vmov s29  }
0xc5: {  	v4 =	vld [tilespmem:s28+$0xFFFFFFE0];
	v9 =	vshll.u32 v5, v3  }
0xc6: {  	v11 =	vshll.u32 v8, v3;
	v5 =	vld [tilespmem:s28+$0xFFFFFFF0];
	v12 =	vand.u32 $0xFFFF0000, v9  }
0xc7: {  	s30 =	simm.s32 $0x7F0;
	s29 =	simm.s32 $0x0;
	v8 =	vld [tilespmem:s28+$0xFFFFFF90];
	v10 =	vshll.u32 v10, v3;
	v9 =	vand.u32 $0xFFFF0000, v11;
	[tilespmem:s28+$0x0] =	vst v12  }
.LBB2_9:
0xc8: {  	v11 =	vld [tilespmem:s30+$0x0];
	s29 =	sadd.s32 $0x8, s29;
	[tilespmem:s28+$0xFFFFFFA0] =	vst v9;
	v9 =	vand.u32 $0xFFFF0000, v10;
	v7 =	vshll.u32 v7, v3  }
0xc9: {  	v10 =	vld [tilespmem:s30+$0xFFFFFFA0];
	p0 =	slt.u32 s29, $0xF8;
	[tilespmem:s28+$0xFFFFFFB0] =	vst v9;
	v7 =	vand.u32 $0xFFFF0000, v7;
	v6 =	vshll.u32 v6, v3  }
0xca: {  	v12 =	vld [tilespmem:s30+$0xFFFFFFB0];
	[tilespmem:s28+$0xFFFFFFC0] =	vst v7;
	v6 =	vand.u32 $0xFFFF0000, v6;
	v4 =	vshll.u32 v4, v3  }
.Ltmp3:
0xcb: {  	v7 =	vld [tilespmem:s30+$0xFFFFFFC0];
	[tilespmem:s28+$0xFFFFFFD0] =	vst v6;
	v4 =	vand.u32 $0xFFFF0000, v4;
	v5 =	vshll.u32 v5, v3;
	(pc) =	sbr.rel @p0 .LBB2_9-.Ltmp3, $4  }
0xcc: {  	v6 =	vld [tilespmem:s30+$0xFFFFFFD0];
	v8 =	vshll.u32 v8, v3;
	[tilespmem:s28+$0xFFFFFFE0] =	vst v4;
	v5 =	vand.u32 $0xFFFF0000, v5  }
0xcd: {  	v4 =	vld [tilespmem:s30+$0xFFFFFFE0];
	v9 =	vshll.u32 v11, v3;
	v8 =	vand.u32 $0xFFFF0000, v8;
	[tilespmem:s28+$0xFFFFFFF0] =	vst v5  }
0xce: {  	v10 =	vshll.u32 v10, v3;
	v5 =	vld [tilespmem:s30+$0xFFFFFFF0];
	v11 =	vand.u32 $0xFFFF0000, v9;
	[tilespmem:s28+$0xFFFFFF90] =	vst v8;
	s28 =	smov.u32 s30  }
0xcf: {  	s30 =	sadd.s32 $0x400, s30;
	v8 =	vld [tilespmem:s28+$0xFFFFFF90];
	v9 =	vand.u32 $0xFFFF0000, v10;
	v10 =	vshll.u32 v12, v3;
	[tilespmem:s28+$0x0] =	vst v11  }
0xd0: {  	(v2sf) =	vpush v2, $0x4;
	_ =	sdelay $0x7  }
0xd1: {  	[tilespmem:s28+$0xFFFFFFA0] =	vst v9;
	v9 =	vand.u32 $0xFFFF0000, v10;
	v7 =	vshll.u32 v7, v3  }
0xd2: {  	[tilespmem:s28+$0xFFFFFFB0] =	vst v9;
	v7 =	vand.u32 $0xFFFF0000, v7;
	v6 =	vshll.u32 v6, v3  }
0xd3: {  	[tilespmem:s28+$0xFFFFFFC0] =	vst v7;
	v6 =	vand.u32 $0xFFFF0000, v6;
	v4 =	vshll.u32 v4, v3  }
0xd4: {  	[tilespmem:s28+$0xFFFFFFD0] =	vst v6;
	v4 =	vand.u32 $0xFFFF0000, v4;
	v5 =	vshll.u32 v5, v3  }
0xd5: {  	v3 =	vshll.u32 v8, v3;
	[tilespmem:s28+$0xFFFFFFE0] =	vst v4;
	v4 =	vand.u32 $0xFFFF0000, v5  }
0xd6: {  	v3 =	vand.u32 $0xFFFF0000, v3;
	[tilespmem:s28+$0xFFFFFFF0] =	vst v4  }
0xd7: {  	[tilespmem:s28+$0xFFFFFF90] =	vst v3;
	s28 =	simm.s32 $0x470  }
0xd8: {  	v5 =	vld [tilespmem:s28+$0x0];
	s29 =	spop (v2sf)  }
0xd9: {  	v8 =	vld [tilespmem:s28+$0xFFFFFFA0];
	s29 =	sxor.u32 $0xFFFFFFFF, s29  }
0xda: {  	v10 =	vld [tilespmem:s28+$0xFFFFFFB0];
	s29 =	sshll.u32 s29, $0x4  }
0xdb: {  	v7 =	vld [tilespmem:s28+$0xFFFFFFC0];
	s29 =	sand.u32 $0x10, s29  }
0xdc: {  	v6 =	vld [tilespmem:s28+$0xFFFFFFD0];
	v3 =	vmov s29  }
0xdd: {  	v4 =	vld [tilespmem:s28+$0xFFFFFFE0];
	v9 =	vshll.u32 v5, v3  }
0xde: {  	v11 =	vshll.u32 v8, v3;
	v5 =	vld [tilespmem:s28+$0xFFFFFFF0];
	v12 =	vand.u32 $0xFFFF0000, v9  }
0xdf: {  	s30 =	simm.s32 $0x870;
	s29 =	simm.s32 $0x0;
	v8 =	vld [tilespmem:s28+$0xFFFFFF90];
	v10 =	vshll.u32 v10, v3;
	v9 =	vand.u32 $0xFFFF0000, v11;
	[tilespmem:s28+$0x0] =	vst v12  }
.LBB2_11:
0xe0: {  	v11 =	vld [tilespmem:s30+$0x0];
	s29 =	sadd.s32 $0x8, s29;
	[tilespmem:s28+$0xFFFFFFA0] =	vst v9;
	v9 =	vand.u32 $0xFFFF0000, v10;
	v7 =	vshll.u32 v7, v3  }
0xe1: {  	v10 =	vld [tilespmem:s30+$0xFFFFFFA0];
	p0 =	slt.u32 s29, $0xF8;
	[tilespmem:s28+$0xFFFFFFB0] =	vst v9;
	v7 =	vand.u32 $0xFFFF0000, v7;
	v6 =	vshll.u32 v6, v3  }
0xe2: {  	v12 =	vld [tilespmem:s30+$0xFFFFFFB0];
	[tilespmem:s28+$0xFFFFFFC0] =	vst v7;
	v6 =	vand.u32 $0xFFFF0000, v6;
	v4 =	vshll.u32 v4, v3  }
.Ltmp4:
0xe3: {  	v7 =	vld [tilespmem:s30+$0xFFFFFFC0];
	[tilespmem:s28+$0xFFFFFFD0] =	vst v6;
	v4 =	vand.u32 $0xFFFF0000, v4;
	v5 =	vshll.u32 v5, v3;
	(pc) =	sbr.rel @p0 .LBB2_11-.Ltmp4, $4  }
0xe4: {  	v6 =	vld [tilespmem:s30+$0xFFFFFFD0];
	v8 =	vshll.u32 v8, v3;
	[tilespmem:s28+$0xFFFFFFE0] =	vst v4;
	v5 =	vand.u32 $0xFFFF0000, v5  }
0xe5: {  	v4 =	vld [tilespmem:s30+$0xFFFFFFE0];
	v9 =	vshll.u32 v11, v3;
	v8 =	vand.u32 $0xFFFF0000, v8;
	[tilespmem:s28+$0xFFFFFFF0] =	vst v5  }
0xe6: {  	v10 =	vshll.u32 v10, v3;
	v5 =	vld [tilespmem:s30+$0xFFFFFFF0];
	v11 =	vand.u32 $0xFFFF0000, v9;
	[tilespmem:s28+$0xFFFFFF90] =	vst v8;
	s28 =	smov.u32 s30  }
0xe7: {  	s30 =	sadd.s32 $0x400, s30;
	v8 =	vld [tilespmem:s28+$0xFFFFFF90];
	v9 =	vand.u32 $0xFFFF0000, v10;
	v10 =	vshll.u32 v12, v3;
	[tilespmem:s28+$0x0] =	vst v11  }
0xe8: {  	(v2sf) =	vpush v2, $0x5;
	_ =	sdelay $0x7  }
0xe9: {  	[tilespmem:s28+$0xFFFFFFA0] =	vst v9;
	v9 =	vand.u32 $0xFFFF0000, v10;
	v7 =	vshll.u32 v7, v3  }
0xea: {  	[tilespmem:s28+$0xFFFFFFB0] =	vst v9;
	v7 =	vand.u32 $0xFFFF0000, v7;
	v6 =	vshll.u32 v6, v3  }
0xeb: {  	[tilespmem:s28+$0xFFFFFFC0] =	vst v7;
	v6 =	vand.u32 $0xFFFF0000, v6;
	v4 =	vshll.u32 v4, v3  }
0xec: {  	[tilespmem:s28+$0xFFFFFFD0] =	vst v6;
	v4 =	vand.u32 $0xFFFF0000, v4;
	v5 =	vshll.u32 v5, v3  }
0xed: {  	v3 =	vshll.u32 v8, v3;
	[tilespmem:s28+$0xFFFFFFE0] =	vst v4;
	v4 =	vand.u32 $0xFFFF0000, v5  }
0xee: {  	v3 =	vand.u32 $0xFFFF0000, v3;
	[tilespmem:s28+$0xFFFFFFF0] =	vst v4  }
0xef: {  	[tilespmem:s28+$0xFFFFFF90] =	vst v3;
	s28 =	simm.s32 $0x4F0  }
0xf0: {  	v5 =	vld [tilespmem:s28+$0x0];
	s29 =	spop (v2sf)  }
0xf1: {  	v8 =	vld [tilespmem:s28+$0xFFFFFFA0];
	s29 =	sxor.u32 $0xFFFFFFFF, s29  }
0xf2: {  	v10 =	vld [tilespmem:s28+$0xFFFFFFB0];
	s29 =	sshll.u32 s29, $0x4  }
0xf3: {  	v7 =	vld [tilespmem:s28+$0xFFFFFFC0];
	s29 =	sand.u32 $0x10, s29  }
0xf4: {  	v6 =	vld [tilespmem:s28+$0xFFFFFFD0];
	v3 =	vmov s29  }
0xf5: {  	v4 =	vld [tilespmem:s28+$0xFFFFFFE0];
	v9 =	vshll.u32 v5, v3  }
0xf6: {  	v11 =	vshll.u32 v8, v3;
	v5 =	vld [tilespmem:s28+$0xFFFFFFF0];
	v12 =	vand.u32 $0xFFFF0000, v9  }
0xf7: {  	s30 =	simm.s32 $0x8F0;
	s29 =	simm.s32 $0x0;
	v8 =	vld [tilespmem:s28+$0xFFFFFF90];
	v10 =	vshll.u32 v10, v3;
	v9 =	vand.u32 $0xFFFF0000, v11;
	[tilespmem:s28+$0x0] =	vst v12  }
.LBB2_13:
0xf8: {  	v11 =	vld [tilespmem:s30+$0x0];
	s29 =	sadd.s32 $0x8, s29;
	[tilespmem:s28+$0xFFFFFFA0] =	vst v9;
	v9 =	vand.u32 $0xFFFF0000, v10;
	v7 =	vshll.u32 v7, v3  }
0xf9: {  	v10 =	vld [tilespmem:s30+$0xFFFFFFA0];
	p0 =	slt.u32 s29, $0xF8;
	[tilespmem:s28+$0xFFFFFFB0] =	vst v9;
	v7 =	vand.u32 $0xFFFF0000, v7;
	v6 =	vshll.u32 v6, v3  }
0xfa: {  	v12 =	vld [tilespmem:s30+$0xFFFFFFB0];
	[tilespmem:s28+$0xFFFFFFC0] =	vst v7;
	v6 =	vand.u32 $0xFFFF0000, v6;
	v4 =	vshll.u32 v4, v3  }
.Ltmp5:
0xfb: {  	v7 =	vld [tilespmem:s30+$0xFFFFFFC0];
	[tilespmem:s28+$0xFFFFFFD0] =	vst v6;
	v4 =	vand.u32 $0xFFFF0000, v4;
	v5 =	vshll.u32 v5, v3;
	(pc) =	sbr.rel @p0 .LBB2_13-.Ltmp5, $4  }
0xfc: {  	v6 =	vld [tilespmem:s30+$0xFFFFFFD0];
	v8 =	vshll.u32 v8, v3;
	[tilespmem:s28+$0xFFFFFFE0] =	vst v4;
	v5 =	vand.u32 $0xFFFF0000, v5  }
0xfd: {  	v4 =	vld [tilespmem:s30+$0xFFFFFFE0];
	v9 =	vshll.u32 v11, v3;
	v8 =	vand.u32 $0xFFFF0000, v8;
	[tilespmem:s28+$0xFFFFFFF0] =	vst v5  }
0xfe: {  	v10 =	vshll.u32 v10, v3;
	v5 =	vld [tilespmem:s30+$0xFFFFFFF0];
	v11 =	vand.u32 $0xFFFF0000, v9;
	[tilespmem:s28+$0xFFFFFF90] =	vst v8;
	s28 =	smov.u32 s30  }
0xff: {  	s30 =	sadd.s32 $0x400, s30;
	v8 =	vld [tilespmem:s28+$0xFFFFFF90];
	v9 =	vand.u32 $0xFFFF0000, v10;
	v10 =	vshll.u32 v12, v3;
	[tilespmem:s28+$0x0] =	vst v11  }
0x100: {  	(v2sf) =	vpush v2, $0x6;
	_ =	sdelay $0x7  }
0x101: {  	[tilespmem:s28+$0xFFFFFFA0] =	vst v9;
	v9 =	vand.u32 $0xFFFF0000, v10;
	v7 =	vshll.u32 v7, v3  }
0x102: {  	[tilespmem:s28+$0xFFFFFFB0] =	vst v9;
	v7 =	vand.u32 $0xFFFF0000, v7;
	v6 =	vshll.u32 v6, v3  }
0x103: {  	[tilespmem:s28+$0xFFFFFFC0] =	vst v7;
	v6 =	vand.u32 $0xFFFF0000, v6;
	v4 =	vshll.u32 v4, v3  }
0x104: {  	[tilespmem:s28+$0xFFFFFFD0] =	vst v6;
	v4 =	vand.u32 $0xFFFF0000, v4;
	v5 =	vshll.u32 v5, v3  }
0x105: {  	v3 =	vshll.u32 v8, v3;
	[tilespmem:s28+$0xFFFFFFE0] =	vst v4;
	v4 =	vand.u32 $0xFFFF0000, v5  }
0x106: {  	v3 =	vand.u32 $0xFFFF0000, v3;
	[tilespmem:s28+$0xFFFFFFF0] =	vst v4  }
0x107: {  	[tilespmem:s28+$0xFFFFFF90] =	vst v3;
	s28 =	simm.s32 $0x570  }
0x108: {  	v5 =	vld [tilespmem:s28+$0x0];
	s29 =	spop (v2sf)  }
0x109: {  	v8 =	vld [tilespmem:s28+$0xFFFFFFA0];
	s29 =	sxor.u32 $0xFFFFFFFF, s29  }
0x10a: {  	v10 =	vld [tilespmem:s28+$0xFFFFFFB0];
	s29 =	sshll.u32 s29, $0x4  }
0x10b: {  	v7 =	vld [tilespmem:s28+$0xFFFFFFC0];
	s29 =	sand.u32 $0x10, s29  }
0x10c: {  	v6 =	vld [tilespmem:s28+$0xFFFFFFD0];
	v3 =	vmov s29  }
0x10d: {  	v4 =	vld [tilespmem:s28+$0xFFFFFFE0];
	v9 =	vshll.u32 v5, v3  }
0x10e: {  	v11 =	vshll.u32 v8, v3;
	v5 =	vld [tilespmem:s28+$0xFFFFFFF0];
	v12 =	vand.u32 $0xFFFF0000, v9  }
0x10f: {  	s30 =	simm.s32 $0x970;
	s29 =	simm.s32 $0x0;
	v8 =	vld [tilespmem:s28+$0xFFFFFF90];
	v10 =	vshll.u32 v10, v3;
	v9 =	vand.u32 $0xFFFF0000, v11;
	[tilespmem:s28+$0x0] =	vst v12  }
.LBB2_15:
0x110: {  	v11 =	vld [tilespmem:s30+$0x0];
	s29 =	sadd.s32 $0x8, s29;
	[tilespmem:s28+$0xFFFFFFA0] =	vst v9;
	v9 =	vand.u32 $0xFFFF0000, v10;
	v7 =	vshll.u32 v7, v3  }
0x111: {  	v10 =	vld [tilespmem:s30+$0xFFFFFFA0];
	p0 =	slt.u32 s29, $0xF8;
	[tilespmem:s28+$0xFFFFFFB0] =	vst v9;
	v7 =	vand.u32 $0xFFFF0000, v7;
	v6 =	vshll.u32 v6, v3  }
0x112: {  	v12 =	vld [tilespmem:s30+$0xFFFFFFB0];
	[tilespmem:s28+$0xFFFFFFC0] =	vst v7;
	v6 =	vand.u32 $0xFFFF0000, v6;
	v4 =	vshll.u32 v4, v3  }
.Ltmp6:
0x113: {  	v7 =	vld [tilespmem:s30+$0xFFFFFFC0];
	[tilespmem:s28+$0xFFFFFFD0] =	vst v6;
	v4 =	vand.u32 $0xFFFF0000, v4;
	v5 =	vshll.u32 v5, v3;
	(pc) =	sbr.rel @p0 .LBB2_15-.Ltmp6, $4  }
0x114: {  	v6 =	vld [tilespmem:s30+$0xFFFFFFD0];
	v8 =	vshll.u32 v8, v3;
	[tilespmem:s28+$0xFFFFFFE0] =	vst v4;
	v5 =	vand.u32 $0xFFFF0000, v5  }
0x115: {  	v4 =	vld [tilespmem:s30+$0xFFFFFFE0];
	v9 =	vshll.u32 v11, v3;
	v8 =	vand.u32 $0xFFFF0000, v8;
	[tilespmem:s28+$0xFFFFFFF0] =	vst v5  }
0x116: {  	v10 =	vshll.u32 v10, v3;
	v5 =	vld [tilespmem:s30+$0xFFFFFFF0];
	v11 =	vand.u32 $0xFFFF0000, v9;
	[tilespmem:s28+$0xFFFFFF90] =	vst v8;
	s28 =	smov.u32 s30  }
0x117: {  	s30 =	sadd.s32 $0x400, s30;
	v8 =	vld [tilespmem:s28+$0xFFFFFF90];
	v9 =	vand.u32 $0xFFFF0000, v10;
	v10 =	vshll.u32 v12, v3;
	[tilespmem:s28+$0x0] =	vst v11  }
0x118: {  	(v2sf) =	vpush v2, $0x7;
	_ =	sdelay $0x7  }
0x119: {  	[tilespmem:s28+$0xFFFFFFA0] =	vst v9;
	v9 =	vand.u32 $0xFFFF0000, v10;
	v7 =	vshll.u32 v7, v3  }
0x11a: {  	[tilespmem:s28+$0xFFFFFFB0] =	vst v9;
	v7 =	vand.u32 $0xFFFF0000, v7;
	v6 =	vshll.u32 v6, v3  }
0x11b: {  	[tilespmem:s28+$0xFFFFFFC0] =	vst v7;
	v6 =	vand.u32 $0xFFFF0000, v6;
	v4 =	vshll.u32 v4, v3  }
0x11c: {  	[tilespmem:s28+$0xFFFFFFD0] =	vst v6;
	v4 =	vand.u32 $0xFFFF0000, v4;
	v5 =	vshll.u32 v5, v3  }
0x11d: {  	v3 =	vshll.u32 v8, v3;
	[tilespmem:s28+$0xFFFFFFE0] =	vst v4;
	v4 =	vand.u32 $0xFFFF0000, v5  }
0x11e: {  	v3 =	vand.u32 $0xFFFF0000, v3;
	[tilespmem:s28+$0xFFFFFFF0] =	vst v4  }
0x11f: {  	[tilespmem:s28+$0xFFFFFF90] =	vst v3;
	s28 =	simm.s32 $0x5F0  }
0x120: {  	v5 =	vld [tilespmem:s28+$0x0];
	s29 =	spop (v2sf)  }
0x121: {  	v8 =	vld [tilespmem:s28+$0xFFFFFFA0];
	s29 =	sxor.u32 $0xFFFFFFFF, s29  }
0x122: {  	v10 =	vld [tilespmem:s28+$0xFFFFFFB0];
	s29 =	sshll.u32 s29, $0x4  }
0x123: {  	v7 =	vld [tilespmem:s28+$0xFFFFFFC0];
	s29 =	sand.u32 $0x10, s29  }
0x124: {  	v6 =	vld [tilespmem:s28+$0xFFFFFFD0];
	v3 =	vmov s29  }
0x125: {  	v4 =	vld [tilespmem:s28+$0xFFFFFFE0];
	v9 =	vshll.u32 v5, v3  }
0x126: {  	v11 =	vshll.u32 v8, v3;
	v5 =	vld [tilespmem:s28+$0xFFFFFFF0];
	v12 =	vand.u32 $0xFFFF0000, v9  }
0x127: {  	s30 =	simm.s32 $0x9F0;
	s29 =	simm.s32 $0x0;
	v8 =	vld [tilespmem:s28+$0xFFFFFF90];
	v10 =	vshll.u32 v10, v3;
	v9 =	vand.u32 $0xFFFF0000, v11;
	[tilespmem:s28+$0x0] =	vst v12  }
.LBB2_17:
0x128: {  	v11 =	vld [tilespmem:s30+$0x0];
	s29 =	sadd.s32 $0x8, s29;
	[tilespmem:s28+$0xFFFFFFA0] =	vst v9;
	v9 =	vand.u32 $0xFFFF0000, v10;
	v7 =	vshll.u32 v7, v3  }
0x129: {  	v10 =	vld [tilespmem:s30+$0xFFFFFFA0];
	p0 =	slt.u32 s29, $0xF8;
	[tilespmem:s28+$0xFFFFFFB0] =	vst v9;
	v7 =	vand.u32 $0xFFFF0000, v7;
	v6 =	vshll.u32 v6, v3  }
0x12a: {  	v12 =	vld [tilespmem:s30+$0xFFFFFFB0];
	[tilespmem:s28+$0xFFFFFFC0] =	vst v7;
	v6 =	vand.u32 $0xFFFF0000, v6;
	v4 =	vshll.u32 v4, v3  }
.Ltmp7:
0x12b: {  	v7 =	vld [tilespmem:s30+$0xFFFFFFC0];
	[tilespmem:s28+$0xFFFFFFD0] =	vst v6;
	v4 =	vand.u32 $0xFFFF0000, v4;
	v5 =	vshll.u32 v5, v3;
	(pc) =	sbr.rel @p0 .LBB2_17-.Ltmp7, $4  }
0x12c: {  	v6 =	vld [tilespmem:s30+$0xFFFFFFD0];
	v8 =	vshll.u32 v8, v3;
	[tilespmem:s28+$0xFFFFFFE0] =	vst v4;
	v5 =	vand.u32 $0xFFFF0000, v5  }
0x12d: {  	v4 =	vld [tilespmem:s30+$0xFFFFFFE0];
	v9 =	vshll.u32 v11, v3;
	v8 =	vand.u32 $0xFFFF0000, v8;
	[tilespmem:s28+$0xFFFFFFF0] =	vst v5  }
0x12e: {  	v10 =	vshll.u32 v10, v3;
	v5 =	vld [tilespmem:s30+$0xFFFFFFF0];
	v11 =	vand.u32 $0xFFFF0000, v9;
	[tilespmem:s28+$0xFFFFFF90] =	vst v8;
	s28 =	smov.u32 s30  }
0x12f: {  	s30 =	sadd.s32 $0x400, s30;
	v8 =	vld [tilespmem:s28+$0xFFFFFF90];
	v9 =	vand.u32 $0xFFFF0000, v10;
	v10 =	vshll.u32 v12, v3;
	[tilespmem:s28+$0x0] =	vst v11  }
0x130: {  	[tilespmem:s28+$0xFFFFFFA0] =	vst v9;
	v9 =	vand.u32 $0xFFFF0000, v10;
	v7 =	vshll.u32 v7, v3  }
0x131: {  	[tilespmem:s28+$0xFFFFFFB0] =	vst v9;
	v7 =	vand.u32 $0xFFFF0000, v7;
	v6 =	vshll.u32 v6, v3  }
0x132: {  	[tilespmem:s28+$0xFFFFFFC0] =	vst v7;
	v6 =	vand.u32 $0xFFFF0000, v6;
	v4 =	vshll.u32 v4, v3  }
0x133: {  	[tilespmem:s28+$0xFFFFFFD0] =	vst v6;
	v4 =	vand.u32 $0xFFFF0000, v4;
	v5 =	vshll.u32 v5, v3  }
0x134: {  	s26 =	sadd.s32 s5, s26;
	v3 =	vshll.u32 v8, v3;
	[tilespmem:s28+$0xFFFFFFE0] =	vst v4;
	v4 =	vand.u32 $0xFFFF0000, v5  }
0x135: {  	s26 =	sshll.u32 s26, $0x9;
	v3 =	vand.u32 $0xFFFF0000, v3;
	[tilespmem:s28+$0xFFFFFFF0] =	vst v4  }
0x136: {  	s26 =	sadd.s32 s3, s26;
	[tilespmem:s28+$0xFFFFFF90] =	vst v3  }
0x137: {  	[hbm4b:s26+s4] =	stream.linear.scatter [tilespmem:s24], [sflag:$0x3], $0x8000, $0x38;
	[tilespmem:$0x10200] =	vst v63  }
0x138: {  	p0 =	seq.s32 s22, $0xF;
	_ =	swait.ge [sflag:s23], $0x8000  }
0x139: {  	s26 =	sshll.u32 @!p0 s22, $0x4;
	[sflag:s23] =	ssyncset.done $0x0  }
0x13a: {  	s26 =	sand.u32 @!p0 $0x3FFFFFF0, s26;
	[sflag:s23] =	ssyncadd.s32 $0xFFFF8000  }
0x13b: {  	v3 =	vld.msk @!p0 [tilespmem:s26+$0x110], $0xff;
	_ =	sdelay $0x4  }
0x13c: {  	v4 =	vshll.u32 @!p0 v3, $0x5  }
0x13d: {  	v5 =	vlaneseq.u32 @!p0;
	v3 =	vand.u32 @!p0 $0x3, v3;
	v4 =	vand.u32 @!p0 $0xFFFFFF80, v4  }
0x13e: {  	v3 =	vor.u32 @!p0 v3, v4;
	v4 =	vand.u32 @!p0 $0x7, v5;
	v5 =	vshrl.u32 @!p0 v5, $0x3  }
0x13f: {  	v3 =	vperm.xlane @!p0 v3, v4;
	v4 =	vmul.u32 @!p0 $0x4, v5;
	_ =	sdelay $0x1  }
0x140: {  	v3 =	vadd.s32 @!p0 v4, v3;
	_ =	sdelay $0x3  }
0x141: {  	vm1 =	vmmov @!p0 $0xffff;
	s28 =	simm.s32 @!p0 $0x200;
	s26 =	simm.s32 @!p0 $0x0  }
0x142: {  	[tilespmem:s28], [sflag:$0x1] =	stream.indirect_vreg.gather @!p0 [hbm4b:s2+s26], $0x80, v3, vm1, $0xb8;
	[tilespmem:$0x10200] =	vst v63  }
0x143: {  	s28 =	simm.s32 @!p0 $0xA00  }
0x144: {  	[tilespmem:s28], [sflag:$0x1] =	stream.indirect_vreg.gather @!p0 [hbm4b:s7+s26], $0x80, v3, vm1, $0xb8;
	[tilespmem:$0x10200] =	vst v63  }
0x145: {  	s28 =	simm.s32 @!p0 $0x1200  }
0x146: {  	[tilespmem:s28], [sflag:$0x1] =	stream.indirect_vreg.gather @!p0 [hbm4b:s8+s26], $0x80, v3, vm1, $0xb8;
	[tilespmem:$0x10200] =	vst v63  }
0x147: {  	s28 =	simm.s32 @!p0 $0x1A00  }
0x148: {  	[tilespmem:s28], [sflag:$0x1] =	stream.indirect_vreg.gather @!p0 [hbm4b:s9+s26], $0x80, v3, vm1, $0xb8;
	[tilespmem:$0x10200] =	vst v63  }
0x149: {  	s28 =	simm.s32 @!p0 $0x2200  }
0x14a: {  	[tilespmem:s28], [sflag:$0x1] =	stream.indirect_vreg.gather @!p0 [hbm4b:s10+s26], $0x80, v3, vm1, $0xb8;
	[tilespmem:$0x10200] =	vst v63  }
0x14b: {  	s28 =	simm.s32 @!p0 $0x2A00  }
0x14c: {  	[tilespmem:s28], [sflag:$0x1] =	stream.indirect_vreg.gather @!p0 [hbm4b:s11+s26], $0x80, v3, vm1, $0xb8;
	[tilespmem:$0x10200] =	vst v63  }
0x14d: {  	s28 =	simm.s32 @!p0 $0x3200  }
0x14e: {  	[tilespmem:s28], [sflag:$0x1] =	stream.indirect_vreg.gather @!p0 [hbm4b:s12+s26], $0x80, v3, vm1, $0xb8;
	[tilespmem:$0x10200] =	vst v63  }
0x14f: {  	s28 =	simm.s32 @!p0 $0x3A00  }
0x150: {  	[tilespmem:s28], [sflag:$0x1] =	stream.indirect_vreg.gather @!p0 [hbm4b:s13+s26], $0x80, v3, vm1, $0xb8;
	[tilespmem:$0x10200] =	vst v63  }
0x151: {  	s28 =	simm.s32 @!p0 $0x4200  }
0x152: {  	[tilespmem:s28], [sflag:$0x1] =	stream.indirect_vreg.gather @!p0 [hbm4b:s14+s26], $0x80, v3, vm1, $0xb8;
	[tilespmem:$0x10200] =	vst v63  }
0x153: {  	s28 =	simm.s32 @!p0 $0x4A00  }
0x154: {  	[tilespmem:s28], [sflag:$0x1] =	stream.indirect_vreg.gather @!p0 [hbm4b:s15+s26], $0x80, v3, vm1, $0xb8;
	[tilespmem:$0x10200] =	vst v63  }
0x155: {  	s28 =	simm.s32 @!p0 $0x5200  }
0x156: {  	[tilespmem:s28], [sflag:$0x1] =	stream.indirect_vreg.gather @!p0 [hbm4b:s16+s26], $0x80, v3, vm1, $0xb8;
	[tilespmem:$0x10200] =	vst v63  }
0x157: {  	s28 =	simm.s32 @!p0 $0x5A00  }
0x158: {  	[tilespmem:s28], [sflag:$0x1] =	stream.indirect_vreg.gather @!p0 [hbm4b:s17+s26], $0x80, v3, vm1, $0xb8;
	[tilespmem:$0x10200] =	vst v63  }
0x159: {  	s28 =	simm.s32 @!p0 $0x6200  }
0x15a: {  	[tilespmem:s28], [sflag:$0x1] =	stream.indirect_vreg.gather @!p0 [hbm4b:s18+s26], $0x80, v3, vm1, $0xb8;
	[tilespmem:$0x10200] =	vst v63  }
0x15b: {  	s28 =	simm.s32 @!p0 $0x6A00  }
0x15c: {  	[tilespmem:s28], [sflag:$0x1] =	stream.indirect_vreg.gather @!p0 [hbm4b:s19+s26], $0x80, v3, vm1, $0xb8;
	[tilespmem:$0x10200] =	vst v63  }
0x15d: {  	s28 =	simm.s32 @!p0 $0x7200  }
0x15e: {  	[tilespmem:s28], [sflag:$0x1] =	stream.indirect_vreg.gather @!p0 [hbm4b:s20+s26], $0x80, v3, vm1, $0xb8;
	[tilespmem:$0x10200] =	vst v63  }
0x15f: {  	s28 =	simm.s32 @!p0 $0x7A00  }
0x160: {  	[tilespmem:s28], [sflag:$0x1] =	stream.indirect_vreg.gather @!p0 [hbm4b:s21+s26], $0x80, v3, vm1, $0xb8;
	[tilespmem:$0x10200] =	vst v63  }
0x161: {  	_ =	swait.ge [sflag:s6], $0x8000  }
0x162: {  	(v2sf) =	vpush v2, $0x8;
	_ =	sdelay $0xc  }
0x163: {  	[sflag:s6] =	ssyncset.done $0x0  }
0x164: {  	s26 =	simm.s32 $0x8240;
	[sflag:s6] =	ssyncadd.s32 $0xFFFF8000  }
0x165: {  	v5 =	vld [tilespmem:s26+$0x30];
	s28 =	spop (v2sf)  }
0x166: {  	v8 =	vld [tilespmem:s26+$0xFFFFFFD0];
	s28 =	sxor.u32 $0xFFFFFFFF, s28  }
0x167: {  	v10 =	vld [tilespmem:s26+$0xFFFFFFE0];
	s28 =	sshll.u32 s28, $0x4  }
0x168: {  	v7 =	vld [tilespmem:s26+$0xFFFFFFF0];
	s28 =	sand.u32 $0x10, s28  }
0x169: {  	v6 =	vld [tilespmem:s26+$0x0];
	v3 =	vmov s28  }
0x16a: {  	v4 =	vld [tilespmem:s26+$0x10];
	v9 =	vshll.u32 v5, v3  }
0x16b: {  	v11 =	vshll.u32 v8, v3;
	v5 =	vld [tilespmem:s26+$0x20];
	v12 =	vand.u32 $0xFFFF0000, v9  }
0x16c: {  	s29 =	simm.s32 $0x8640;
	s28 =	simm.s32 $0x0;
	v8 =	vld [tilespmem:s26+$0xFFFFFFC0];
	v10 =	vshll.u32 v10, v3;
	v9 =	vand.u32 $0xFFFF0000, v11;
	[tilespmem:s26+$0x30] =	vst v12  }
.LBB2_19:
0x16d: {  	v11 =	vld [tilespmem:s29+$0x30];
	s28 =	sadd.s32 $0x8, s28;
	[tilespmem:s26+$0xFFFFFFD0] =	vst v9;
	v9 =	vand.u32 $0xFFFF0000, v10;
	v7 =	vshll.u32 v7, v3  }
0x16e: {  	v10 =	vld [tilespmem:s29+$0xFFFFFFD0];
	p0 =	slt.u32 s28, $0xF8;
	[tilespmem:s26+$0xFFFFFFE0] =	vst v9;
	v7 =	vand.u32 $0xFFFF0000, v7;
	v6 =	vshll.u32 v6, v3  }
0x16f: {  	v12 =	vld [tilespmem:s29+$0xFFFFFFE0];
	[tilespmem:s26+$0xFFFFFFF0] =	vst v7;
	v6 =	vand.u32 $0xFFFF0000, v6;
	v4 =	vshll.u32 v4, v3  }
.Ltmp8:
0x170: {  	v7 =	vld [tilespmem:s29+$0xFFFFFFF0];
	[tilespmem:s26+$0x0] =	vst v6;
	v4 =	vand.u32 $0xFFFF0000, v4;
	v5 =	vshll.u32 v5, v3;
	(pc) =	sbr.rel @p0 .LBB2_19-.Ltmp8, $4  }
0x171: {  	v6 =	vld [tilespmem:s29+$0x0];
	v8 =	vshll.u32 v8, v3;
	[tilespmem:s26+$0x10] =	vst v4;
	v5 =	vand.u32 $0xFFFF0000, v5  }
0x172: {  	v4 =	vld [tilespmem:s29+$0x10];
	v9 =	vshll.u32 v11, v3;
	v8 =	vand.u32 $0xFFFF0000, v8;
	[tilespmem:s26+$0x20] =	vst v5  }
0x173: {  	v10 =	vshll.u32 v10, v3;
	v5 =	vld [tilespmem:s29+$0x20];
	v11 =	vand.u32 $0xFFFF0000, v9;
	[tilespmem:s26+$0xFFFFFFC0] =	vst v8;
	s26 =	smov.u32 s29  }
0x174: {  	s29 =	sadd.s32 $0x400, s29;
	v8 =	vld [tilespmem:s26+$0xFFFFFFC0];
	v9 =	vand.u32 $0xFFFF0000, v10;
	v10 =	vshll.u32 v12, v3;
	[tilespmem:s26+$0x30] =	vst v11  }
0x175: {  	(v2sf) =	vpush v2, $0x9;
	_ =	sdelay $0x7  }
0x176: {  	[tilespmem:s26+$0xFFFFFFD0] =	vst v9;
	v9 =	vand.u32 $0xFFFF0000, v10;
	v7 =	vshll.u32 v7, v3  }
0x177: {  	[tilespmem:s26+$0xFFFFFFE0] =	vst v9;
	v7 =	vand.u32 $0xFFFF0000, v7;
	v6 =	vshll.u32 v6, v3  }
0x178: {  	[tilespmem:s26+$0xFFFFFFF0] =	vst v7;
	v6 =	vand.u32 $0xFFFF0000, v6;
	v4 =	vshll.u32 v4, v3  }
0x179: {  	[tilespmem:s26+$0x0] =	vst v6;
	v4 =	vand.u32 $0xFFFF0000, v4;
	v5 =	vshll.u32 v5, v3  }
0x17a: {  	v3 =	vshll.u32 v8, v3;
	[tilespmem:s26+$0x10] =	vst v4;
	v4 =	vand.u32 $0xFFFF0000, v5  }
0x17b: {  	v3 =	vand.u32 $0xFFFF0000, v3;
	[tilespmem:s26+$0x20] =	vst v4  }
0x17c: {  	[tilespmem:s26+$0xFFFFFFC0] =	vst v3;
	s26 =	simm.s32 $0x82F0  }
0x17d: {  	v5 =	vld [tilespmem:s26+$0x0];
	s28 =	spop (v2sf)  }
0x17e: {  	v8 =	vld [tilespmem:s26+$0xFFFFFFA0];
	s28 =	sxor.u32 $0xFFFFFFFF, s28  }
0x17f: {  	v10 =	vld [tilespmem:s26+$0xFFFFFFB0];
	s28 =	sshll.u32 s28, $0x4  }
0x180: {  	v7 =	vld [tilespmem:s26+$0xFFFFFFC0];
	s28 =	sand.u32 $0x10, s28  }
0x181: {  	v6 =	vld [tilespmem:s26+$0xFFFFFFD0];
	v3 =	vmov s28  }
0x182: {  	v4 =	vld [tilespmem:s26+$0xFFFFFFE0];
	v9 =	vshll.u32 v5, v3  }
0x183: {  	v11 =	vshll.u32 v8, v3;
	v5 =	vld [tilespmem:s26+$0xFFFFFFF0];
	v12 =	vand.u32 $0xFFFF0000, v9  }
0x184: {  	s29 =	simm.s32 $0x86F0;
	s28 =	simm.s32 $0x0;
	v8 =	vld [tilespmem:s26+$0xFFFFFF90];
	v10 =	vshll.u32 v10, v3;
	v9 =	vand.u32 $0xFFFF0000, v11;
	[tilespmem:s26+$0x0] =	vst v12  }
.LBB2_21:
0x185: {  	v11 =	vld [tilespmem:s29+$0x0];
	s28 =	sadd.s32 $0x8, s28;
	[tilespmem:s26+$0xFFFFFFA0] =	vst v9;
	v9 =	vand.u32 $0xFFFF0000, v10;
	v7 =	vshll.u32 v7, v3  }
0x186: {  	v10 =	vld [tilespmem:s29+$0xFFFFFFA0];
	p0 =	slt.u32 s28, $0xF8;
	[tilespmem:s26+$0xFFFFFFB0] =	vst v9;
	v7 =	vand.u32 $0xFFFF0000, v7;
	v6 =	vshll.u32 v6, v3  }
0x187: {  	v12 =	vld [tilespmem:s29+$0xFFFFFFB0];
	[tilespmem:s26+$0xFFFFFFC0] =	vst v7;
	v6 =	vand.u32 $0xFFFF0000, v6;
	v4 =	vshll.u32 v4, v3  }
.Ltmp9:
0x188: {  	v7 =	vld [tilespmem:s29+$0xFFFFFFC0];
	[tilespmem:s26+$0xFFFFFFD0] =	vst v6;
	v4 =	vand.u32 $0xFFFF0000, v4;
	v5 =	vshll.u32 v5, v3;
	(pc) =	sbr.rel @p0 .LBB2_21-.Ltmp9, $4  }
0x189: {  	v6 =	vld [tilespmem:s29+$0xFFFFFFD0];
	v8 =	vshll.u32 v8, v3;
	[tilespmem:s26+$0xFFFFFFE0] =	vst v4;
	v5 =	vand.u32 $0xFFFF0000, v5  }
0x18a: {  	v4 =	vld [tilespmem:s29+$0xFFFFFFE0];
	v9 =	vshll.u32 v11, v3;
	v8 =	vand.u32 $0xFFFF0000, v8;
	[tilespmem:s26+$0xFFFFFFF0] =	vst v5  }
0x18b: {  	v10 =	vshll.u32 v10, v3;
	v5 =	vld [tilespmem:s29+$0xFFFFFFF0];
	v11 =	vand.u32 $0xFFFF0000, v9;
	[tilespmem:s26+$0xFFFFFF90] =	vst v8;
	s26 =	smov.u32 s29  }
0x18c: {  	s29 =	sadd.s32 $0x400, s29;
	v8 =	vld [tilespmem:s26+$0xFFFFFF90];
	v9 =	vand.u32 $0xFFFF0000, v10;
	v10 =	vshll.u32 v12, v3;
	[tilespmem:s26+$0x0] =	vst v11  }
0x18d: {  	(v2sf) =	vpush v2, $0xA;
	_ =	sdelay $0x7  }
0x18e: {  	[tilespmem:s26+$0xFFFFFFA0] =	vst v9;
	v9 =	vand.u32 $0xFFFF0000, v10;
	v7 =	vshll.u32 v7, v3  }
0x18f: {  	[tilespmem:s26+$0xFFFFFFB0] =	vst v9;
	v7 =	vand.u32 $0xFFFF0000, v7;
	v6 =	vshll.u32 v6, v3  }
0x190: {  	[tilespmem:s26+$0xFFFFFFC0] =	vst v7;
	v6 =	vand.u32 $0xFFFF0000, v6;
	v4 =	vshll.u32 v4, v3  }
0x191: {  	[tilespmem:s26+$0xFFFFFFD0] =	vst v6;
	v4 =	vand.u32 $0xFFFF0000, v4;
	v5 =	vshll.u32 v5, v3  }
0x192: {  	v3 =	vshll.u32 v8, v3;
	[tilespmem:s26+$0xFFFFFFE0] =	vst v4;
	v4 =	vand.u32 $0xFFFF0000, v5  }
0x193: {  	v3 =	vand.u32 $0xFFFF0000, v3;
	[tilespmem:s26+$0xFFFFFFF0] =	vst v4  }
0x194: {  	[tilespmem:s26+$0xFFFFFF90] =	vst v3;
	s26 =	simm.s32 $0x8370  }
0x195: {  	v5 =	vld [tilespmem:s26+$0x0];
	s28 =	spop (v2sf)  }
0x196: {  	v8 =	vld [tilespmem:s26+$0xFFFFFFA0];
	s28 =	sxor.u32 $0xFFFFFFFF, s28  }
0x197: {  	v10 =	vld [tilespmem:s26+$0xFFFFFFB0];
	s28 =	sshll.u32 s28, $0x4  }
0x198: {  	v7 =	vld [tilespmem:s26+$0xFFFFFFC0];
	s28 =	sand.u32 $0x10, s28  }
0x199: {  	v6 =	vld [tilespmem:s26+$0xFFFFFFD0];
	v3 =	vmov s28  }
0x19a: {  	v4 =	vld [tilespmem:s26+$0xFFFFFFE0];
	v9 =	vshll.u32 v5, v3  }
0x19b: {  	v11 =	vshll.u32 v8, v3;
	v5 =	vld [tilespmem:s26+$0xFFFFFFF0];
	v12 =	vand.u32 $0xFFFF0000, v9  }
0x19c: {  	s29 =	simm.s32 $0x8770;
	s28 =	simm.s32 $0x0;
	v8 =	vld [tilespmem:s26+$0xFFFFFF90];
	v10 =	vshll.u32 v10, v3;
	v9 =	vand.u32 $0xFFFF0000, v11;
	[tilespmem:s26+$0x0] =	vst v12  }
.LBB2_23:
0x19d: {  	v11 =	vld [tilespmem:s29+$0x0];
	s28 =	sadd.s32 $0x8, s28;
	[tilespmem:s26+$0xFFFFFFA0] =	vst v9;
	v9 =	vand.u32 $0xFFFF0000, v10;
	v7 =	vshll.u32 v7, v3  }
0x19e: {  	v10 =	vld [tilespmem:s29+$0xFFFFFFA0];
	p0 =	slt.u32 s28, $0xF8;
	[tilespmem:s26+$0xFFFFFFB0] =	vst v9;
	v7 =	vand.u32 $0xFFFF0000, v7;
	v6 =	vshll.u32 v6, v3  }
0x19f: {  	v12 =	vld [tilespmem:s29+$0xFFFFFFB0];
	[tilespmem:s26+$0xFFFFFFC0] =	vst v7;
	v6 =	vand.u32 $0xFFFF0000, v6;
	v4 =	vshll.u32 v4, v3  }
.Ltmp10:
0x1a0: {  	v7 =	vld [tilespmem:s29+$0xFFFFFFC0];
	[tilespmem:s26+$0xFFFFFFD0] =	vst v6;
	v4 =	vand.u32 $0xFFFF0000, v4;
	v5 =	vshll.u32 v5, v3;
	(pc) =	sbr.rel @p0 .LBB2_23-.Ltmp10, $4  }
0x1a1: {  	v6 =	vld [tilespmem:s29+$0xFFFFFFD0];
	v8 =	vshll.u32 v8, v3;
	[tilespmem:s26+$0xFFFFFFE0] =	vst v4;
	v5 =	vand.u32 $0xFFFF0000, v5  }
0x1a2: {  	v4 =	vld [tilespmem:s29+$0xFFFFFFE0];
	v9 =	vshll.u32 v11, v3;
	v8 =	vand.u32 $0xFFFF0000, v8;
	[tilespmem:s26+$0xFFFFFFF0] =	vst v5  }
0x1a3: {  	v10 =	vshll.u32 v10, v3;
	v5 =	vld [tilespmem:s29+$0xFFFFFFF0];
	v11 =	vand.u32 $0xFFFF0000, v9;
	[tilespmem:s26+$0xFFFFFF90] =	vst v8;
	s26 =	smov.u32 s29  }
0x1a4: {  	s29 =	sadd.s32 $0x400, s29;
	v8 =	vld [tilespmem:s26+$0xFFFFFF90];
	v9 =	vand.u32 $0xFFFF0000, v10;
	v10 =	vshll.u32 v12, v3;
	[tilespmem:s26+$0x0] =	vst v11  }
0x1a5: {  	(v2sf) =	vpush v2, $0xB;
	_ =	sdelay $0x7  }
0x1a6: {  	[tilespmem:s26+$0xFFFFFFA0] =	vst v9;
	v9 =	vand.u32 $0xFFFF0000, v10;
	v7 =	vshll.u32 v7, v3  }
0x1a7: {  	[tilespmem:s26+$0xFFFFFFB0] =	vst v9;
	v7 =	vand.u32 $0xFFFF0000, v7;
	v6 =	vshll.u32 v6, v3  }
0x1a8: {  	[tilespmem:s26+$0xFFFFFFC0] =	vst v7;
	v6 =	vand.u32 $0xFFFF0000, v6;
	v4 =	vshll.u32 v4, v3  }
0x1a9: {  	[tilespmem:s26+$0xFFFFFFD0] =	vst v6;
	v4 =	vand.u32 $0xFFFF0000, v4;
	v5 =	vshll.u32 v5, v3  }
0x1aa: {  	v3 =	vshll.u32 v8, v3;
	[tilespmem:s26+$0xFFFFFFE0] =	vst v4;
	v4 =	vand.u32 $0xFFFF0000, v5  }
0x1ab: {  	v3 =	vand.u32 $0xFFFF0000, v3;
	[tilespmem:s26+$0xFFFFFFF0] =	vst v4  }
0x1ac: {  	[tilespmem:s26+$0xFFFFFF90] =	vst v3;
	s26 =	simm.s32 $0x83F0  }
0x1ad: {  	v5 =	vld [tilespmem:s26+$0x0];
	s28 =	spop (v2sf)  }
0x1ae: {  	v8 =	vld [tilespmem:s26+$0xFFFFFFA0];
	s28 =	sxor.u32 $0xFFFFFFFF, s28  }
0x1af: {  	v10 =	vld [tilespmem:s26+$0xFFFFFFB0];
	s28 =	sshll.u32 s28, $0x4  }
0x1b0: {  	v7 =	vld [tilespmem:s26+$0xFFFFFFC0];
	s28 =	sand.u32 $0x10, s28  }
0x1b1: {  	v6 =	vld [tilespmem:s26+$0xFFFFFFD0];
	v3 =	vmov s28  }
0x1b2: {  	v4 =	vld [tilespmem:s26+$0xFFFFFFE0];
	v9 =	vshll.u32 v5, v3  }
0x1b3: {  	v11 =	vshll.u32 v8, v3;
	v5 =	vld [tilespmem:s26+$0xFFFFFFF0];
	v12 =	vand.u32 $0xFFFF0000, v9  }
0x1b4: {  	s29 =	simm.s32 $0x87F0;
	s28 =	simm.s32 $0x0;
	v8 =	vld [tilespmem:s26+$0xFFFFFF90];
	v10 =	vshll.u32 v10, v3;
	v9 =	vand.u32 $0xFFFF0000, v11;
	[tilespmem:s26+$0x0] =	vst v12  }
.LBB2_25:
0x1b5: {  	v11 =	vld [tilespmem:s29+$0x0];
	s28 =	sadd.s32 $0x8, s28;
	[tilespmem:s26+$0xFFFFFFA0] =	vst v9;
	v9 =	vand.u32 $0xFFFF0000, v10;
	v7 =	vshll.u32 v7, v3  }
0x1b6: {  	v10 =	vld [tilespmem:s29+$0xFFFFFFA0];
	p0 =	slt.u32 s28, $0xF8;
	[tilespmem:s26+$0xFFFFFFB0] =	vst v9;
	v7 =	vand.u32 $0xFFFF0000, v7;
	v6 =	vshll.u32 v6, v3  }
0x1b7: {  	v12 =	vld [tilespmem:s29+$0xFFFFFFB0];
	[tilespmem:s26+$0xFFFFFFC0] =	vst v7;
	v6 =	vand.u32 $0xFFFF0000, v6;
	v4 =	vshll.u32 v4, v3  }
.Ltmp11:
0x1b8: {  	v7 =	vld [tilespmem:s29+$0xFFFFFFC0];
	[tilespmem:s26+$0xFFFFFFD0] =	vst v6;
	v4 =	vand.u32 $0xFFFF0000, v4;
	v5 =	vshll.u32 v5, v3;
	(pc) =	sbr.rel @p0 .LBB2_25-.Ltmp11, $4  }
0x1b9: {  	v6 =	vld [tilespmem:s29+$0xFFFFFFD0];
	v8 =	vshll.u32 v8, v3;
	[tilespmem:s26+$0xFFFFFFE0] =	vst v4;
	v5 =	vand.u32 $0xFFFF0000, v5  }
0x1ba: {  	v4 =	vld [tilespmem:s29+$0xFFFFFFE0];
	v9 =	vshll.u32 v11, v3;
	v8 =	vand.u32 $0xFFFF0000, v8;
	[tilespmem:s26+$0xFFFFFFF0] =	vst v5  }
0x1bb: {  	v10 =	vshll.u32 v10, v3;
	v5 =	vld [tilespmem:s29+$0xFFFFFFF0];
	v11 =	vand.u32 $0xFFFF0000, v9;
	[tilespmem:s26+$0xFFFFFF90] =	vst v8;
	s26 =	smov.u32 s29  }
0x1bc: {  	s29 =	sadd.s32 $0x400, s29;
	v8 =	vld [tilespmem:s26+$0xFFFFFF90];
	v9 =	vand.u32 $0xFFFF0000, v10;
	v10 =	vshll.u32 v12, v3;
	[tilespmem:s26+$0x0] =	vst v11  }
0x1bd: {  	(v2sf) =	vpush v2, $0xC;
	_ =	sdelay $0x7  }
0x1be: {  	[tilespmem:s26+$0xFFFFFFA0] =	vst v9;
	v9 =	vand.u32 $0xFFFF0000, v10;
	v7 =	vshll.u32 v7, v3  }
0x1bf: {  	[tilespmem:s26+$0xFFFFFFB0] =	vst v9;
	v7 =	vand.u32 $0xFFFF0000, v7;
	v6 =	vshll.u32 v6, v3  }
0x1c0: {  	[tilespmem:s26+$0xFFFFFFC0] =	vst v7;
	v6 =	vand.u32 $0xFFFF0000, v6;
	v4 =	vshll.u32 v4, v3  }
0x1c1: {  	[tilespmem:s26+$0xFFFFFFD0] =	vst v6;
	v4 =	vand.u32 $0xFFFF0000, v4;
	v5 =	vshll.u32 v5, v3  }
0x1c2: {  	v3 =	vshll.u32 v8, v3;
	[tilespmem:s26+$0xFFFFFFE0] =	vst v4;
	v4 =	vand.u32 $0xFFFF0000, v5  }
0x1c3: {  	v3 =	vand.u32 $0xFFFF0000, v3;
	[tilespmem:s26+$0xFFFFFFF0] =	vst v4  }
0x1c4: {  	[tilespmem:s26+$0xFFFFFF90] =	vst v3;
	s26 =	simm.s32 $0x8470  }
0x1c5: {  	v5 =	vld [tilespmem:s26+$0x0];
	s28 =	spop (v2sf)  }
0x1c6: {  	v8 =	vld [tilespmem:s26+$0xFFFFFFA0];
	s28 =	sxor.u32 $0xFFFFFFFF, s28  }
0x1c7: {  	v10 =	vld [tilespmem:s26+$0xFFFFFFB0];
	s28 =	sshll.u32 s28, $0x4  }
0x1c8: {  	v7 =	vld [tilespmem:s26+$0xFFFFFFC0];
	s28 =	sand.u32 $0x10, s28  }
0x1c9: {  	v6 =	vld [tilespmem:s26+$0xFFFFFFD0];
	v3 =	vmov s28  }
0x1ca: {  	v4 =	vld [tilespmem:s26+$0xFFFFFFE0];
	v9 =	vshll.u32 v5, v3  }
0x1cb: {  	v11 =	vshll.u32 v8, v3;
	v5 =	vld [tilespmem:s26+$0xFFFFFFF0];
	v12 =	vand.u32 $0xFFFF0000, v9  }
0x1cc: {  	s29 =	simm.s32 $0x8870;
	s28 =	simm.s32 $0x0;
	v8 =	vld [tilespmem:s26+$0xFFFFFF90];
	v10 =	vshll.u32 v10, v3;
	v9 =	vand.u32 $0xFFFF0000, v11;
	[tilespmem:s26+$0x0] =	vst v12  }
.LBB2_27:
0x1cd: {  	v11 =	vld [tilespmem:s29+$0x0];
	s28 =	sadd.s32 $0x8, s28;
	[tilespmem:s26+$0xFFFFFFA0] =	vst v9;
	v9 =	vand.u32 $0xFFFF0000, v10;
	v7 =	vshll.u32 v7, v3  }
0x1ce: {  	v10 =	vld [tilespmem:s29+$0xFFFFFFA0];
	p0 =	slt.u32 s28, $0xF8;
	[tilespmem:s26+$0xFFFFFFB0] =	vst v9;
	v7 =	vand.u32 $0xFFFF0000, v7;
	v6 =	vshll.u32 v6, v3  }
0x1cf: {  	v12 =	vld [tilespmem:s29+$0xFFFFFFB0];
	[tilespmem:s26+$0xFFFFFFC0] =	vst v7;
	v6 =	vand.u32 $0xFFFF0000, v6;
	v4 =	vshll.u32 v4, v3  }
.Ltmp12:
0x1d0: {  	v7 =	vld [tilespmem:s29+$0xFFFFFFC0];
	[tilespmem:s26+$0xFFFFFFD0] =	vst v6;
	v4 =	vand.u32 $0xFFFF0000, v4;
	v5 =	vshll.u32 v5, v3;
	(pc) =	sbr.rel @p0 .LBB2_27-.Ltmp12, $4  }
0x1d1: {  	v6 =	vld [tilespmem:s29+$0xFFFFFFD0];
	v8 =	vshll.u32 v8, v3;
	[tilespmem:s26+$0xFFFFFFE0] =	vst v4;
	v5 =	vand.u32 $0xFFFF0000, v5  }
0x1d2: {  	v4 =	vld [tilespmem:s29+$0xFFFFFFE0];
	v9 =	vshll.u32 v11, v3;
	v8 =	vand.u32 $0xFFFF0000, v8;
	[tilespmem:s26+$0xFFFFFFF0] =	vst v5  }
0x1d3: {  	v10 =	vshll.u32 v10, v3;
	v5 =	vld [tilespmem:s29+$0xFFFFFFF0];
	v11 =	vand.u32 $0xFFFF0000, v9;
	[tilespmem:s26+$0xFFFFFF90] =	vst v8;
	s26 =	smov.u32 s29  }
0x1d4: {  	s29 =	sadd.s32 $0x400, s29;
	v8 =	vld [tilespmem:s26+$0xFFFFFF90];
	v9 =	vand.u32 $0xFFFF0000, v10;
	v10 =	vshll.u32 v12, v3;
	[tilespmem:s26+$0x0] =	vst v11  }
0x1d5: {  	(v2sf) =	vpush v2, $0xD;
	_ =	sdelay $0x7  }
0x1d6: {  	[tilespmem:s26+$0xFFFFFFA0] =	vst v9;
	v9 =	vand.u32 $0xFFFF0000, v10;
	v7 =	vshll.u32 v7, v3  }
0x1d7: {  	[tilespmem:s26+$0xFFFFFFB0] =	vst v9;
	v7 =	vand.u32 $0xFFFF0000, v7;
	v6 =	vshll.u32 v6, v3  }
0x1d8: {  	[tilespmem:s26+$0xFFFFFFC0] =	vst v7;
	v6 =	vand.u32 $0xFFFF0000, v6;
	v4 =	vshll.u32 v4, v3  }
0x1d9: {  	[tilespmem:s26+$0xFFFFFFD0] =	vst v6;
	v4 =	vand.u32 $0xFFFF0000, v4;
	v5 =	vshll.u32 v5, v3  }
0x1da: {  	v3 =	vshll.u32 v8, v3;
	[tilespmem:s26+$0xFFFFFFE0] =	vst v4;
	v4 =	vand.u32 $0xFFFF0000, v5  }
0x1db: {  	v3 =	vand.u32 $0xFFFF0000, v3;
	[tilespmem:s26+$0xFFFFFFF0] =	vst v4  }
0x1dc: {  	[tilespmem:s26+$0xFFFFFF90] =	vst v3;
	s26 =	simm.s32 $0x84F0  }
0x1dd: {  	v5 =	vld [tilespmem:s26+$0x0];
	s28 =	spop (v2sf)  }
0x1de: {  	v8 =	vld [tilespmem:s26+$0xFFFFFFA0];
	s28 =	sxor.u32 $0xFFFFFFFF, s28  }
0x1df: {  	v10 =	vld [tilespmem:s26+$0xFFFFFFB0];
	s28 =	sshll.u32 s28, $0x4  }
0x1e0: {  	v7 =	vld [tilespmem:s26+$0xFFFFFFC0];
	s28 =	sand.u32 $0x10, s28  }
0x1e1: {  	v6 =	vld [tilespmem:s26+$0xFFFFFFD0];
	v3 =	vmov s28  }
0x1e2: {  	v4 =	vld [tilespmem:s26+$0xFFFFFFE0];
	v9 =	vshll.u32 v5, v3  }
0x1e3: {  	v11 =	vshll.u32 v8, v3;
	v5 =	vld [tilespmem:s26+$0xFFFFFFF0];
	v12 =	vand.u32 $0xFFFF0000, v9  }
0x1e4: {  	s29 =	simm.s32 $0x88F0;
	s28 =	simm.s32 $0x0;
	v8 =	vld [tilespmem:s26+$0xFFFFFF90];
	v10 =	vshll.u32 v10, v3;
	v9 =	vand.u32 $0xFFFF0000, v11;
	[tilespmem:s26+$0x0] =	vst v12  }
.LBB2_29:
0x1e5: {  	v11 =	vld [tilespmem:s29+$0x0];
	s28 =	sadd.s32 $0x8, s28;
	[tilespmem:s26+$0xFFFFFFA0] =	vst v9;
	v9 =	vand.u32 $0xFFFF0000, v10;
	v7 =	vshll.u32 v7, v3  }
0x1e6: {  	v10 =	vld [tilespmem:s29+$0xFFFFFFA0];
	p0 =	slt.u32 s28, $0xF8;
	[tilespmem:s26+$0xFFFFFFB0] =	vst v9;
	v7 =	vand.u32 $0xFFFF0000, v7;
	v6 =	vshll.u32 v6, v3  }
0x1e7: {  	v12 =	vld [tilespmem:s29+$0xFFFFFFB0];
	[tilespmem:s26+$0xFFFFFFC0] =	vst v7;
	v6 =	vand.u32 $0xFFFF0000, v6;
	v4 =	vshll.u32 v4, v3  }
.Ltmp13:
0x1e8: {  	v7 =	vld [tilespmem:s29+$0xFFFFFFC0];
	[tilespmem:s26+$0xFFFFFFD0] =	vst v6;
	v4 =	vand.u32 $0xFFFF0000, v4;
	v5 =	vshll.u32 v5, v3;
	(pc) =	sbr.rel @p0 .LBB2_29-.Ltmp13, $4  }
0x1e9: {  	v6 =	vld [tilespmem:s29+$0xFFFFFFD0];
	v8 =	vshll.u32 v8, v3;
	[tilespmem:s26+$0xFFFFFFE0] =	vst v4;
	v5 =	vand.u32 $0xFFFF0000, v5  }
0x1ea: {  	v4 =	vld [tilespmem:s29+$0xFFFFFFE0];
	v9 =	vshll.u32 v11, v3;
	v8 =	vand.u32 $0xFFFF0000, v8;
	[tilespmem:s26+$0xFFFFFFF0] =	vst v5  }
0x1eb: {  	v10 =	vshll.u32 v10, v3;
	v5 =	vld [tilespmem:s29+$0xFFFFFFF0];
	v11 =	vand.u32 $0xFFFF0000, v9;
	[tilespmem:s26+$0xFFFFFF90] =	vst v8;
	s26 =	smov.u32 s29  }
0x1ec: {  	s29 =	sadd.s32 $0x400, s29;
	v8 =	vld [tilespmem:s26+$0xFFFFFF90];
	v9 =	vand.u32 $0xFFFF0000, v10;
	v10 =	vshll.u32 v12, v3;
	[tilespmem:s26+$0x0] =	vst v11  }
0x1ed: {  	(v2sf) =	vpush v2, $0xE;
	_ =	sdelay $0x7  }
0x1ee: {  	[tilespmem:s26+$0xFFFFFFA0] =	vst v9;
	v9 =	vand.u32 $0xFFFF0000, v10;
	v7 =	vshll.u32 v7, v3  }
0x1ef: {  	[tilespmem:s26+$0xFFFFFFB0] =	vst v9;
	v7 =	vand.u32 $0xFFFF0000, v7;
	v6 =	vshll.u32 v6, v3  }
0x1f0: {  	[tilespmem:s26+$0xFFFFFFC0] =	vst v7;
	v6 =	vand.u32 $0xFFFF0000, v6;
	v4 =	vshll.u32 v4, v3  }
0x1f1: {  	[tilespmem:s26+$0xFFFFFFD0] =	vst v6;
	v4 =	vand.u32 $0xFFFF0000, v4;
	v5 =	vshll.u32 v5, v3  }
0x1f2: {  	v3 =	vshll.u32 v8, v3;
	[tilespmem:s26+$0xFFFFFFE0] =	vst v4;
	v4 =	vand.u32 $0xFFFF0000, v5  }
0x1f3: {  	v3 =	vand.u32 $0xFFFF0000, v3;
	[tilespmem:s26+$0xFFFFFFF0] =	vst v4  }
0x1f4: {  	[tilespmem:s26+$0xFFFFFF90] =	vst v3;
	s26 =	simm.s32 $0x8570  }
0x1f5: {  	v5 =	vld [tilespmem:s26+$0x0];
	s28 =	spop (v2sf)  }
0x1f6: {  	v8 =	vld [tilespmem:s26+$0xFFFFFFA0];
	s28 =	sxor.u32 $0xFFFFFFFF, s28  }
0x1f7: {  	v10 =	vld [tilespmem:s26+$0xFFFFFFB0];
	s28 =	sshll.u32 s28, $0x4  }
0x1f8: {  	v7 =	vld [tilespmem:s26+$0xFFFFFFC0];
	s28 =	sand.u32 $0x10, s28  }
0x1f9: {  	v6 =	vld [tilespmem:s26+$0xFFFFFFD0];
	v3 =	vmov s28  }
0x1fa: {  	v4 =	vld [tilespmem:s26+$0xFFFFFFE0];
	v9 =	vshll.u32 v5, v3  }
0x1fb: {  	v11 =	vshll.u32 v8, v3;
	v5 =	vld [tilespmem:s26+$0xFFFFFFF0];
	v12 =	vand.u32 $0xFFFF0000, v9  }
0x1fc: {  	s29 =	simm.s32 $0x8970;
	s28 =	simm.s32 $0x0;
	v8 =	vld [tilespmem:s26+$0xFFFFFF90];
	v10 =	vshll.u32 v10, v3;
	v9 =	vand.u32 $0xFFFF0000, v11;
	[tilespmem:s26+$0x0] =	vst v12  }
.LBB2_31:
0x1fd: {  	v11 =	vld [tilespmem:s29+$0x0];
	s28 =	sadd.s32 $0x8, s28;
	[tilespmem:s26+$0xFFFFFFA0] =	vst v9;
	v9 =	vand.u32 $0xFFFF0000, v10;
	v7 =	vshll.u32 v7, v3  }
0x1fe: {  	v10 =	vld [tilespmem:s29+$0xFFFFFFA0];
	p0 =	slt.u32 s28, $0xF8;
	[tilespmem:s26+$0xFFFFFFB0] =	vst v9;
	v7 =	vand.u32 $0xFFFF0000, v7;
	v6 =	vshll.u32 v6, v3  }
0x1ff: {  	v12 =	vld [tilespmem:s29+$0xFFFFFFB0];
	[tilespmem:s26+$0xFFFFFFC0] =	vst v7;
	v6 =	vand.u32 $0xFFFF0000, v6;
	v4 =	vshll.u32 v4, v3  }
.Ltmp14:
0x200: {  	v7 =	vld [tilespmem:s29+$0xFFFFFFC0];
	[tilespmem:s26+$0xFFFFFFD0] =	vst v6;
	v4 =	vand.u32 $0xFFFF0000, v4;
	v5 =	vshll.u32 v5, v3;
	(pc) =	sbr.rel @p0 .LBB2_31-.Ltmp14, $4  }
0x201: {  	v6 =	vld [tilespmem:s29+$0xFFFFFFD0];
	v8 =	vshll.u32 v8, v3;
	[tilespmem:s26+$0xFFFFFFE0] =	vst v4;
	v5 =	vand.u32 $0xFFFF0000, v5  }
0x202: {  	v4 =	vld [tilespmem:s29+$0xFFFFFFE0];
	v9 =	vshll.u32 v11, v3;
	v8 =	vand.u32 $0xFFFF0000, v8;
	[tilespmem:s26+$0xFFFFFFF0] =	vst v5  }
0x203: {  	v10 =	vshll.u32 v10, v3;
	v5 =	vld [tilespmem:s29+$0xFFFFFFF0];
	v11 =	vand.u32 $0xFFFF0000, v9;
	[tilespmem:s26+$0xFFFFFF90] =	vst v8;
	s26 =	smov.u32 s29  }
0x204: {  	s29 =	sadd.s32 $0x400, s29;
	v8 =	vld [tilespmem:s26+$0xFFFFFF90];
	v9 =	vand.u32 $0xFFFF0000, v10;
	v10 =	vshll.u32 v12, v3;
	[tilespmem:s26+$0x0] =	vst v11  }
0x205: {  	(v2sf) =	vpush v2, $0xF;
	_ =	sdelay $0x7  }
0x206: {  	[tilespmem:s26+$0xFFFFFFA0] =	vst v9;
	v2 =	vand.u32 $0xFFFF0000, v10;
	v7 =	vshll.u32 v7, v3  }
0x207: {  	[tilespmem:s26+$0xFFFFFFB0] =	vst v2;
	v2 =	vand.u32 $0xFFFF0000, v7;
	v6 =	vshll.u32 v6, v3  }
0x208: {  	[tilespmem:s26+$0xFFFFFFC0] =	vst v2;
	v2 =	vand.u32 $0xFFFF0000, v6;
	v4 =	vshll.u32 v4, v3  }
0x209: {  	[tilespmem:s26+$0xFFFFFFD0] =	vst v2;
	v2 =	vand.u32 $0xFFFF0000, v4;
	v4 =	vshll.u32 v5, v3  }
0x20a: {  	v3 =	vshll.u32 v8, v3;
	[tilespmem:s26+$0xFFFFFFE0] =	vst v2;
	v2 =	vand.u32 $0xFFFF0000, v4  }
0x20b: {  	v3 =	vand.u32 $0xFFFF0000, v3;
	[tilespmem:s26+$0xFFFFFFF0] =	vst v2  }
0x20c: {  	[tilespmem:s26+$0xFFFFFF90] =	vst v3;
	s26 =	simm.s32 $0x85F0  }
0x20d: {  	v4 =	vld [tilespmem:s26+$0x0];
	s28 =	spop (v2sf)  }
0x20e: {  	v7 =	vld [tilespmem:s26+$0xFFFFFFA0];
	s28 =	sxor.u32 $0xFFFFFFFF, s28  }
0x20f: {  	v9 =	vld [tilespmem:s26+$0xFFFFFFB0];
	s28 =	sshll.u32 s28, $0x4  }
0x210: {  	v6 =	vld [tilespmem:s26+$0xFFFFFFC0];
	s28 =	sand.u32 $0x10, s28  }
0x211: {  	v5 =	vld [tilespmem:s26+$0xFFFFFFD0];
	v2 =	vmov s28  }
0x212: {  	v3 =	vld [tilespmem:s26+$0xFFFFFFE0];
	v8 =	vshll.u32 v4, v2  }
0x213: {  	v10 =	vshll.u32 v7, v2;
	v4 =	vld [tilespmem:s26+$0xFFFFFFF0];
	v11 =	vand.u32 $0xFFFF0000, v8  }
0x214: {  	s29 =	simm.s32 $0x89F0;
	s28 =	simm.s32 $0x0;
	v7 =	vld [tilespmem:s26+$0xFFFFFF90];
	v9 =	vshll.u32 v9, v2;
	v8 =	vand.u32 $0xFFFF0000, v10;
	[tilespmem:s26+$0x0] =	vst v11  }
.LBB2_33:
0x215: {  	v10 =	vld [tilespmem:s29+$0x0];
	s28 =	sadd.s32 $0x8, s28;
	[tilespmem:s26+$0xFFFFFFA0] =	vst v8;
	v8 =	vand.u32 $0xFFFF0000, v9;
	v6 =	vshll.u32 v6, v2  }
0x216: {  	v9 =	vld [tilespmem:s29+$0xFFFFFFA0];
	p0 =	slt.u32 s28, $0xF8;
	[tilespmem:s26+$0xFFFFFFB0] =	vst v8;
	v6 =	vand.u32 $0xFFFF0000, v6;
	v5 =	vshll.u32 v5, v2  }
0x217: {  	v11 =	vld [tilespmem:s29+$0xFFFFFFB0];
	[tilespmem:s26+$0xFFFFFFC0] =	vst v6;
	v5 =	vand.u32 $0xFFFF0000, v5;
	v3 =	vshll.u32 v3, v2  }
.Ltmp15:
0x218: {  	v6 =	vld [tilespmem:s29+$0xFFFFFFC0];
	[tilespmem:s26+$0xFFFFFFD0] =	vst v5;
	v3 =	vand.u32 $0xFFFF0000, v3;
	v4 =	vshll.u32 v4, v2;
	(pc) =	sbr.rel @p0 .LBB2_33-.Ltmp15, $4  }
0x219: {  	v5 =	vld [tilespmem:s29+$0xFFFFFFD0];
	v7 =	vshll.u32 v7, v2;
	[tilespmem:s26+$0xFFFFFFE0] =	vst v3;
	v4 =	vand.u32 $0xFFFF0000, v4  }
0x21a: {  	v3 =	vld [tilespmem:s29+$0xFFFFFFE0];
	v8 =	vshll.u32 v10, v2;
	v7 =	vand.u32 $0xFFFF0000, v7;
	[tilespmem:s26+$0xFFFFFFF0] =	vst v4  }
0x21b: {  	v9 =	vshll.u32 v9, v2;
	v4 =	vld [tilespmem:s29+$0xFFFFFFF0];
	v10 =	vand.u32 $0xFFFF0000, v8;
	[tilespmem:s26+$0xFFFFFF90] =	vst v7;
	s26 =	smov.u32 s29  }
0x21c: {  	s29 =	sadd.s32 $0x400, s29;
	v7 =	vld [tilespmem:s26+$0xFFFFFF90];
	v8 =	vand.u32 $0xFFFF0000, v9;
	v9 =	vshll.u32 v11, v2;
	[tilespmem:s26+$0x0] =	vst v10  }
0x21d: {  	[tilespmem:s26+$0xFFFFFFA0] =	vst v8;
	v63 =	vand.u32 $0xFFFF0000, v9;
	v6 =	vshll.u32 v6, v2  }
0x21e: {  	[tilespmem:s26+$0xFFFFFFB0] =	vst v63;
	v6 =	vand.u32 $0xFFFF0000, v6;
	v5 =	vshll.u32 v5, v2  }
0x21f: {  	[tilespmem:s26+$0xFFFFFFC0] =	vst v6;
	v5 =	vand.u32 $0xFFFF0000, v5;
	v3 =	vshll.u32 v3, v2  }
0x220: {  	[tilespmem:s26+$0xFFFFFFD0] =	vst v5;
	v3 =	vand.u32 $0xFFFF0000, v3;
	v4 =	vshll.u32 v4, v2  }
0x221: {  	s25 =	sadd.s32 s5, s25;
	s22 =	sadd.s32 $0x1, s22;
	v2 =	vshll.u32 v7, v2;
	[tilespmem:s26+$0xFFFFFFE0] =	vst v3;
	v3 =	vand.u32 $0xFFFF0000, v4  }
0x222: {  	s25 =	sshll.u32 s25, $0x9;
	p0 =	sne.s32 s22, $0x10;
	v2 =	vand.u32 $0xFFFF0000, v2;
	[tilespmem:s26+$0xFFFFFFF0] =	vst v3  }
.Ltmp16:
0x223: {  	s25 =	sadd.s32 s3, s25;
	[tilespmem:s26+$0xFFFFFF90] =	vst v2;
	(pc) =	sbr.rel @p0 .LBB2_2-.Ltmp16, $4  }
0x224: {  	[hbm4b:s25+s4] =	stream.linear.scatter [tilespmem:s1], [sflag:$0x3], $0x8000, $0x38;
	[tilespmem:$0x10200] =	vst v63  }
0x225: {  	_ =	swait.ge [sflag:s23], $0x8000  }
0x226: {  	[sflag:s23] =	ssyncset.done $0x0  }
0x227: {  	[sflag:s23] =	ssyncadd.s32 $0xFFFF8000  }
0x228: {  	s25 =	rddreg [dreg:$0x6]  }
0x229: {  	s22 =	rddreg [dreg:$0x5];
	s25 =	sadd.s32 $0x1, s25  }
0x22a: {  	p0 =	sne.s32 s25, s22  }
.Ltmp17:
0x22b: {  	_ = 	snop;
	(pc) =	sbr.rel @p0 .LBB2_1-.Ltmp17, $1  }
0x22c: {  	_ =	sdelay $0x3  }
0x22d: {  	_ =	sfence.sel $0x180000  }
0x22e: {  	[bflag:$0x0] =	sbarrier.arrive $0xFFFF  }
0x22f: {  	_ =	strace $0x90000047  }
0x230: {  	s0 =	stileid.u32;
	[bflag:$0x2] =	sbarrier.arrive $0xFFFF  }
0x231: {  	p0 =	sne.s32 s0, $0x0;
	s0 =	rddreg [dreg:$0x3]  }
0x232: {  	s0 =	sadd.s32 @!p0 $0x100000, s0  }
0x233: {  	[sflag:s0] =	ssyncadd.tile.s32 @!p0 $0x1;
	_ =	shalt  }
.Lfunc_end2:
_tile_overlayer_lowered:
.L_overlay_start_2:
0x234: {  	(tag) =	ssettag $0x2  }
0x235: {  	s0 =	rddreg [dreg:$0x0];
	s2 =	stileid.u32  }
0x236: {  	s1 =	rddreg [dreg:$0x1];
	p0 =	sne.s32 s2, $0x0  }
0x237: {  	s3 =	rddreg [dreg:$0x2];
	[bflag:$0x3] =	sbarrier.arrive $0xFFFF;
	s2 =	simm.s32 @!p0 $0x1C03  }
0x238: {  	[timem:s3], [sflag:s2] =	dma.local @!p0 [hbm:s0], s1  }
0x239: {  	s0 =	simm.s32 @!p0 $0x3  }
0x23a: {  	_ =	swait.ge @!p0 [sflag:s0], s1  }
0x23b: {  	s1 =	ssub.s32 @!p0 $0x0, s1;
	[sflag:s0] =	ssyncset.done @!p0 $0x0  }
0x23c: {  	[sflag:s0] =	ssyncadd.s32 @!p0 s1  }
0x23d: {  	[bflag:$0x3] =	sbarrier.arrive $0xFFFF  }
0x23e: {  	_ =	shalt  }

</sc_bundles>
